<compile_context>
chip_gen: v7x
topology: tpu7x:2x2x1
jax: 0.10.2.dev20260603
libtpu: 0.0.44.dev20260713+nightly
codegen_flags: <defaults>
</compile_context>

<pallas_src>
import jax
import jax.numpy as jnp
from jax import lax
from jax.experimental import pallas as pl
from jax.experimental.pallas import tpu as pltpu
from jax.experimental.pallas import tpu_sc as plsc

ID_DIM = 128
LLM_DIM = 2048
OUT_DIM = 1024
E = 8
TOK = 2048
IN_DIM = ID_DIM + LLM_DIM
HID = 2 * OUT_DIM

NC = 2
NS = 16
L = 16

BR = 128
NB = TOK * 2 // BR + E
NBP = 48
R = NB * BR
RB = 1024
NBR = R // RB

_SC_MESH = dict(core_axis_name="c", subcore_axis_name="s",
                num_cores=NC, num_subcores=NS)


def _gate_body(x_ref, wg1_ref, bg1_ref, wg2_ref, bg2_ref,
               d1_ref, d2_ref, p1_ref, p2_ref, be_ref, ba_ref):
    x = x_ref[...]
    h = jnp.maximum(
        jnp.dot(x, wg1_ref[...], preferred_element_type=jnp.float32)
        + bg1_ref[...], 0.0)
    logits = (jnp.dot(h, wg2_ref[...], preferred_element_type=jnp.float32)
              + bg2_ref[...])
    iota_e = lax.broadcasted_iota(jnp.int32, (TOK, E), 1)
    m1 = jnp.max(logits, axis=1, keepdims=True)
    idx1 = jnp.min(jnp.where(logits == m1, iota_e, E), axis=1, keepdims=True)
    masked = jnp.where(iota_e == idx1, -jnp.inf, logits)
    m2 = jnp.max(masked, axis=1, keepdims=True)
    idx2 = jnp.min(jnp.where(masked == m2, iota_e, E), axis=1, keepdims=True)
    p2 = 1.0 / (1.0 + jnp.exp(m1 - m2))
    p1_ref[...] = 1.0 - p2
    p2_ref[...] = p2

    oh1 = (iota_e == idx1).astype(jnp.float32)
    oh2 = (iota_e == idx2).astype(jnp.float32)
    cnt = oh1 + oh2
    rowi = lax.broadcasted_iota(jnp.int32, (TOK, TOK), 0)
    coli = lax.broadcasted_iota(jnp.int32, (TOK, TOK), 1)
    lt = (coli < rowi).astype(jnp.float32)
    prefix = jnp.dot(lt, cnt, preferred_element_type=jnp.float32)
    tot = jnp.sum(cnt, axis=0, keepdims=True)
    padded = jnp.ceil(tot / BR) * BR
    e_r = lax.broadcasted_iota(jnp.int32, (E, E), 0)
    e_c = lax.broadcasted_iota(jnp.int32, (E, E), 1)
    lt8 = (e_r < e_c).astype(jnp.float32)
    off = jnp.dot(padded, lt8, preferred_element_type=jnp.float32)
    dest1 = jnp.sum(oh1 * (off + prefix), axis=1, keepdims=True)
    dest2 = jnp.sum(oh2 * (off + prefix + oh1), axis=1, keepdims=True)
    d1_ref[...] = dest1.astype(jnp.int32)
    d2_ref[...] = dest2.astype(jnp.int32)

    blkoff = (off / BR).reshape(E, 1)
    nblk = (padded / BR).reshape(E, 1)
    totb = jnp.sum(padded / BR)
    bv = lax.broadcasted_iota(jnp.int32, (E, NBP), 1).astype(jnp.float32)
    ev = lax.broadcasted_iota(jnp.int32, (E, NBP), 0).astype(jnp.float32)
    cand = jnp.where((bv >= blkoff) & (nblk > 0), ev, 0.0)
    be_ref[...] = jnp.max(cand, axis=0, keepdims=True).astype(jnp.int32)
    bav = lax.broadcasted_iota(jnp.int32, (1, NBP), 1).astype(jnp.float32)
    ba_ref[...] = jnp.where(bav < totb, 1, 0).astype(jnp.int32)


def _gate_route(combined, Wg1, bg1, Wg2, bg2):
    return pl.pallas_call(
        _gate_body,
        out_shape=(
            jax.ShapeDtypeStruct((TOK, 1), jnp.int32),
            jax.ShapeDtypeStruct((TOK, 1), jnp.int32),
            jax.ShapeDtypeStruct((TOK, 1), jnp.float32),
            jax.ShapeDtypeStruct((TOK, 1), jnp.float32),
            jax.ShapeDtypeStruct((1, NBP), jnp.int32),
            jax.ShapeDtypeStruct((1, NBP), jnp.int32),
        ),
        compiler_params=pltpu.CompilerParams(
            vmem_limit_bytes=100 * 1024 * 1024),
    )(combined, Wg1, bg1, Wg2, bg2)


def _invert_body(d1_ref, d2_ref, w1_ref, w2_ref, rtok_ref, rwt_ref):
    i = pl.program_id(0)
    rbase = (i * RB).astype(jnp.float32)
    colv = (lax.broadcasted_iota(jnp.int32, (TOK, RB), 1).astype(jnp.float32)
            + rbase)
    m1 = (d1_ref[...] == colv).astype(jnp.float32)
    m2 = (d2_ref[...] == colv).astype(jnp.float32)
    tid = lax.broadcasted_iota(jnp.int32, (TOK, 1), 0).astype(jnp.float32)
    rtok = jnp.sum((m1 + m2) * tid, axis=0, keepdims=True)
    rwt = jnp.sum(m1 * w1_ref[...] + m2 * w2_ref[...], axis=0, keepdims=True)
    rtok_ref[...] = rtok.astype(jnp.int32).reshape(1, 1, RB)
    rwt_ref[...] = rwt.reshape(1, 1, RB)


def _invert(d1f, d2f, w1g, w2g):
    full = pl.BlockSpec((TOK, 1), lambda i: (0, 0))
    return pl.pallas_call(
        _invert_body,
        grid=(NBR,),
        in_specs=[full, full, full, full],
        out_specs=(pl.BlockSpec((1, 1, RB), lambda i: (i, 0, 0)),
                   pl.BlockSpec((1, 1, RB), lambda i: (i, 0, 0))),
        out_shape=(jax.ShapeDtypeStruct((NBR, 1, RB), jnp.int32),
                   jax.ShapeDtypeStruct((NBR, 1, RB), jnp.float32)),
        compiler_params=pltpu.CompilerParams(
            vmem_limit_bytes=100 * 1024 * 1024),
    )(d1f, d2f, w1g, w2g)


def _gather_body(tok_hbm, comb_hbm, xs_hbm, idx0, idx1, rows0, rows1,
                 sem0, sem1):
    cid = lax.axis_index("c")
    sid = lax.axis_index("s")
    wid = sid * NC + cid
    RPW = R // (NC * NS)
    CH = 16
    NCH = RPW // CH
    idxs = [idx0, idx1]
    rows = [rows0, rows1]
    sems = [sem0, sem1]
    pltpu.sync_copy(tok_hbm.at[pl.ds(wid * RPW, CH)], idx0)
    cps = [pltpu.async_copy(comb_hbm.at[idx0], rows0, sem0), None]
    for ch in range(NCH):
        cur, nxt = ch % 2, (ch + 1) % 2
        if ch + 1 < NCH:
            nbase = wid * RPW + (ch + 1) * CH
            pltpu.sync_copy(tok_hbm.at[pl.ds(nbase, CH)], idxs[nxt])
            cps[nxt] = pltpu.async_copy(comb_hbm.at[idxs[nxt]], rows[nxt],
                                        sems[nxt])
        cps[cur].wait()
        pltpu.sync_copy(rows[cur], xs_hbm.at[pl.ds(wid * RPW + ch * CH, CH)])


def _gather_rows(row_token, combined):
    return pl.kernel(
        _gather_body,
        out_type=jax.ShapeDtypeStruct((R, IN_DIM), jnp.float32),
        mesh=plsc.VectorSubcoreMesh(**_SC_MESH),
        scratch_types=[
            pltpu.VMEM((16,), jnp.int32),
            pltpu.VMEM((16,), jnp.int32),
            pltpu.VMEM((16, IN_DIM), jnp.float32),
            pltpu.VMEM((16, IN_DIM), jnp.float32),
            pltpu.SemaphoreType.DMA,
            pltpu.SemaphoreType.DMA,
        ],
    )(row_token, combined)


def _mlp_body(be_ref, ba_ref, xs_ref, w1_ref, b1_ref, w2_ref, b2_ref,
              wrow_ref, y_ref):
    i = pl.program_id(0)

    @pl.when(ba_ref[i] == 1)
    def _compute():
        h = jnp.maximum(
            jnp.dot(xs_ref[...], w1_ref[0],
                    preferred_element_type=jnp.float32) + b1_ref[0], 0.0)
        y = (jnp.dot(h, w2_ref[0], preferred_element_type=jnp.float32)
             + b2_ref[0])
        y_ref[...] = y * wrow_ref[0]


def _grouped_mlp(blk_e, blk_a, xs, W1, b1, W2, b2, wrow):
    grid_spec = pltpu.PrefetchScalarGridSpec(
        num_scalar_prefetch=2,
        grid=(NB,),
        in_specs=[
            pl.BlockSpec((BR, IN_DIM),
                         lambda i, be, ba: (jnp.where(ba[i] == 1, i, 0), 0)),
            pl.BlockSpec((1, IN_DIM, HID), lambda i, be, ba: (be[i], 0, 0)),
            pl.BlockSpec((1, 1, HID), lambda i, be, ba: (be[i], 0, 0)),
            pl.BlockSpec((1, HID, OUT_DIM), lambda i, be, ba: (be[i], 0, 0)),
            pl.BlockSpec((1, 1, OUT_DIM), lambda i, be, ba: (be[i], 0, 0)),
            pl.BlockSpec((1, BR, 1), lambda i, be, ba: (i, 0, 0)),
        ],
        out_specs=pl.BlockSpec((BR, OUT_DIM), lambda i, be, ba: (i, 0)),
    )
    return pl.pallas_call(
        _mlp_body,
        grid_spec=grid_spec,
        out_shape=jax.ShapeDtypeStruct((R, OUT_DIM), jnp.float32),
        compiler_params=pltpu.CompilerParams(
            vmem_limit_bytes=100 * 1024 * 1024),
    )(blk_e, blk_a, xs, W1, b1.reshape(E, 1, HID), W2,
      b2.reshape(E, 1, OUT_DIM), wrow)


def _combine_body(d1_hbm, d2_hbm, y_hbm, ya_hbm, yb_hbm, i0, i1, r0, r1, sem):
    cid = lax.axis_index("c")
    sid = lax.axis_index("s")
    wid = sid * NC + cid
    TPW = TOK // (NC * NS)
    CH = 32
    for ch in range(TPW // CH):
        base = wid * TPW + ch * CH
        pltpu.sync_copy(d1_hbm.at[pl.ds(base, CH)], i0)
        pltpu.sync_copy(d2_hbm.at[pl.ds(base, CH)], i1)
        pltpu.async_copy(y_hbm.at[i0], r0, sem).wait()
        pltpu.sync_copy(r0, ya_hbm.at[pl.ds(base, CH)])
        pltpu.async_copy(y_hbm.at[i1], r1, sem).wait()
        pltpu.sync_copy(r1, yb_hbm.at[pl.ds(base, CH)])


def _combine(d1, d2, y):
    return pl.kernel(
        _combine_body,
        out_type=(jax.ShapeDtypeStruct((TOK, OUT_DIM), jnp.float32),
                  jax.ShapeDtypeStruct((TOK, OUT_DIM), jnp.float32)),
        mesh=plsc.VectorSubcoreMesh(**_SC_MESH),
        scratch_types=[
            pltpu.VMEM((32,), jnp.int32),
            pltpu.VMEM((32,), jnp.int32),
            pltpu.VMEM((32, OUT_DIM), jnp.float32),
            pltpu.VMEM((32, OUT_DIM), jnp.float32),
            pltpu.SemaphoreType.DMA,
        ],
    )(d1, d2, y)


def _add_body(a_ref, b_ref, o_ref):
    o_ref[...] = a_ref[...] + b_ref[...]


def _pairwise_add(ya, yb):
    blk = pl.BlockSpec((256, OUT_DIM), lambda i: (i, 0))
    return pl.pallas_call(
        _add_body,
        grid=(TOK // 256,),
        in_specs=[blk, blk],
        out_specs=blk,
        out_shape=jax.ShapeDtypeStruct((TOK, OUT_DIM), jnp.float32),
    )(ya, yb)


def kernel(id_emb, llm_emb, W1, b1, W2, b2, Wg1, bg1, Wg2, bg2):
    combined = jnp.concatenate([id_emb, llm_emb], axis=-1)

    d1i, d2i, p1, p2, be2d, ba2d = _gate_route(combined, Wg1, bg1, Wg2, bg2)

    rtok2d, rwt2d = _invert(d1i.astype(jnp.float32), d2i.astype(jnp.float32),
                            p1, p2)
    rtok = rtok2d.reshape(R)
    rwt = rwt2d.reshape(R)

    xs = _gather_rows(rtok, combined)

    y = _grouped_mlp(be2d.reshape(NBP), ba2d.reshape(NBP), xs,
                     W1, b1, W2, b2, rwt.reshape(NB, BR, 1))

    ya, yb = _combine(d1i.reshape(TOK), d2i.reshape(TOK), y)
    return _pairwise_add(ya, yb)

# --- scband reference (transcript-rebuilt; emitter-appended) ---
"""Pipeline reference for scband-mo-eadapter-89945205113236 (READ-ONLY COPY).

The authoritative reference and input builder live on the scoring server;
editing this copy changes nothing except your own understanding.
"""

import jax, jax.numpy as jnp
import numpy as np

ID_DIM = 128
LLM_DIM = 2048
OUT_DIM = 1024
E = 8
TOPK = 2
TOK = 2048
IN_DIM = ID_DIM + LLM_DIM


def setup_inputs(seed: int = 0) -> dict:
    key = jax.random.key(seed)
    ks = jax.random.split(key, 8)
    id_emb = jax.random.normal(ks[0], (TOK, ID_DIM), dtype=jnp.float32)
    llm_emb = jax.random.normal(ks[1], (TOK, LLM_DIM), dtype=jnp.float32)
    s1 = 1.0 / np.sqrt(IN_DIM)
    s2 = 1.0 / np.sqrt(2 * OUT_DIM)
    sg2 = 1.0 / np.sqrt(2 * E)
    W1 = jax.random.normal(ks[2], (E, IN_DIM, 2 * OUT_DIM), dtype=jnp.float32) * s1
    b1 = jnp.zeros((E, 2 * OUT_DIM), dtype=jnp.float32)
    W2 = jax.random.normal(ks[3], (E, 2 * OUT_DIM, OUT_DIM), dtype=jnp.float32) * s2
    b2 = jnp.zeros((E, OUT_DIM), dtype=jnp.float32)
    Wg1 = jax.random.normal(ks[4], (IN_DIM, 2 * E), dtype=jnp.float32) * s1
    bg1 = jnp.zeros((2 * E,), dtype=jnp.float32)
    Wg2 = jax.random.normal(ks[5], (2 * E, E), dtype=jnp.float32) * sg2
    bg2 = jnp.zeros((E,), dtype=jnp.float32)
    return {"id_emb": id_emb, "llm_emb": llm_emb, "W1": W1, "b1": b1, "W2": W2, "b2": b2, "Wg1": Wg1, "bg1": bg1, "Wg2": Wg2, "bg2": bg2}


def reference(id_emb, llm_emb, W1, b1, W2, b2, Wg1, bg1, Wg2, bg2):
    combined = jnp.concatenate([id_emb, llm_emb], axis=-1)  # [T, IN_DIM]
    # gate: Linear -> ReLU -> Linear
    gate_logits = jax.nn.relu(combined @ Wg1 + bg1) @ Wg2 + bg2  # [T, E]
    topk_w, topk_idx = jax.lax.top_k(gate_logits, TOPK)  # [T, K]
    topk_w = jax.nn.softmax(topk_w, axis=-1)  # softmax over the top-k weights
    # run every expert densely on every token (faithful to the torch loop)
    h = jax.nn.relu(jnp.einsum('td,edh->eth', combined, W1) + b1[:, None, :])  # [E, T, 2*OUT]
    expert_out = jnp.einsum('eth,eho->eto', h, W2) + b2[:, None, :]  # [E, T, OUT]
    # per-expert combine weight: sum over top-k slots matching this expert
    eids = jnp.arange(E)
    w = jnp.sum((topk_idx[None, :, :] == eids[:, None, None]).astype(jnp.float32) * topk_w[None, :, :], axis=-1)  # [E, T]
    output = jnp.sum(w[:, :, None] * expert_out, axis=0)  # [T, OUT]
    return output

if __name__ == "__main__":
    import jax
    _d = setup_inputs()
    print(jax.jit(kernel)(*tuple(_d.values())))

</pallas_src>

<mosaic_0001>
#map = affine_map<(d0, d1) -> (0)>
#map1 = affine_map<(d0, d1) -> (0, 0)>
module attributes {stable_mosaic.version = 14 : i64} {
  func.func @_combine_body(%arg0: i32, %arg1: i32, %arg2: memref<2048xi32, #tpu.memory_space<hbm>>, %arg3: memref<2048xi32, #tpu.memory_space<hbm>>, %arg4: memref<5120x1024xf32, #tpu.memory_space<hbm>>, %arg5: memref<2048x1024xf32, #tpu.memory_space<hbm>>, %arg6: memref<2048x1024xf32, #tpu.memory_space<hbm>>, %arg7: memref<32xi32, #tpu.memory_space<vmem>>, %arg8: memref<32xi32, #tpu.memory_space<vmem>>, %arg9: memref<32x1024xf32, #tpu.memory_space<vmem>>, %arg10: memref<32x1024xf32, #tpu.memory_space<vmem>>, %arg11: memref<!tpu.dma_semaphore, #tpu.memory_space<semaphore_mem>>) attributes {dimension_semantics = [#tpu.dimension_semantics<core_parallel>, #tpu.dimension_semantics<subcore_parallel>], iteration_bounds = array<i64: 2, 16>, scalar_prefetch = 0 : i64, scratch_operands = 5 : i64, tpu.core_type = #tpu.core_type<sc_vector_subcore>, window_params = [{transform_indices = #map}, {transform_indices = #map}, {transform_indices = #map1}, {transform_indices = #map1}, {transform_indices = #map1}]} {
    %mul3A = arith.constant 2 : i32
    %mul3A_0 = arith.muli %arg1, %mul3A : i32
    %add3A = arith.addi %mul3A_0, %arg0 : i32
    %mul3A_1 = arith.constant 64 : i32
    %mul3A_2 = arith.muli %add3A, %mul3A_1 : i32
    %add3A_3 = arith.constant 0 : i32
    %add3A_4 = arith.addi %mul3A_2, %add3A_3 : i32
    "tpu.region"() ({
      %run_scoped3A = tpu.sem_alloc : memref<!tpu.dma_semaphore, #tpu.memory_space<semaphore_mem>>
      %dma_start3A_31 = tpu.memref_slice %arg2[%add3A_4] : memref<2048xi32, #tpu.memory_space<hbm>> -> memref<32xi32, #tpu.memory_space<hbm>>
      %dma_start3A_32 = tpu.memref_slice %arg2[%add3A_4] : memref<2048xi32, #tpu.memory_space<hbm>> -> memref<32xi32, #tpu.memory_space<hbm>>
      tpu.enqueue_dma source(%dma_start3A_32 : memref<32xi32, #tpu.memory_space<hbm>>) target(%arg7 : memref<32xi32, #tpu.memory_space<vmem>>) target_semaphore(%run_scoped3A : memref<!tpu.dma_semaphore, #tpu.memory_space<semaphore_mem>>)
      %dma_wait3A_33 = tpu.memref_slice %arg2[%add3A_4] : memref<2048xi32, #tpu.memory_space<hbm>> -> memref<32xi32, #tpu.memory_space<hbm>>
      %dma_wait3A_34 = tpu.memref_slice %arg2[%add3A_4] : memref<2048xi32, #tpu.memory_space<hbm>> -> memref<32xi32, #tpu.memory_space<hbm>>
      tpu.wait_dma2 semaphore(%run_scoped3A : memref<!tpu.dma_semaphore, #tpu.memory_space<semaphore_mem>>) src(%dma_wait3A_34 : memref<32xi32, #tpu.memory_space<hbm>>) dst(%arg7 : memref<32xi32, #tpu.memory_space<vmem>>)
      tpu.yield
    }) : () -> ()
    "tpu.region"() ({
      %run_scoped3A = tpu.sem_alloc : memref<!tpu.dma_semaphore, #tpu.memory_space<semaphore_mem>>
      %dma_start3A_31 = tpu.memref_slice %arg3[%add3A_4] : memref<2048xi32, #tpu.memory_space<hbm>> -> memref<32xi32, #tpu.memory_space<hbm>>
      %dma_start3A_32 = tpu.memref_slice %arg3[%add3A_4] : memref<2048xi32, #tpu.memory_space<hbm>> -> memref<32xi32, #tpu.memory_space<hbm>>
      tpu.enqueue_dma source(%dma_start3A_32 : memref<32xi32, #tpu.memory_space<hbm>>) target(%arg8 : memref<32xi32, #tpu.memory_space<vmem>>) target_semaphore(%run_scoped3A : memref<!tpu.dma_semaphore, #tpu.memory_space<semaphore_mem>>)
      %dma_wait3A_33 = tpu.memref_slice %arg3[%add3A_4] : memref<2048xi32, #tpu.memory_space<hbm>> -> memref<32xi32, #tpu.memory_space<hbm>>
      %dma_wait3A_34 = tpu.memref_slice %arg3[%add3A_4] : memref<2048xi32, #tpu.memory_space<hbm>> -> memref<32xi32, #tpu.memory_space<hbm>>
      tpu.wait_dma2 semaphore(%run_scoped3A : memref<!tpu.dma_semaphore, #tpu.memory_space<semaphore_mem>>) src(%dma_wait3A_34 : memref<32xi32, #tpu.memory_space<hbm>>) dst(%arg8 : memref<32xi32, #tpu.memory_space<vmem>>)
      tpu.yield
    }) : () -> ()
    %dma_start3A = arith.constant 0 : i32
    %dma_start3A_5 = arith.constant 0 : i32
    %dma_start3A_6 = tpu.memref_slice %arg4[%dma_start3A, %dma_start3A_5] : memref<5120x1024xf32, #tpu.memory_space<hbm>> -> memref<5120x1024xf32, #tpu.memory_space<hbm>>
    tpu.enqueue_indirect_dma source(%dma_start3A_6 : memref<5120x1024xf32, #tpu.memory_space<hbm>>) target(%arg9 : memref<32x1024xf32, #tpu.memory_space<vmem>>) offsets(%arg7 : memref<32xi32, #tpu.memory_space<vmem>>) semaphore(%arg11 : memref<!tpu.dma_semaphore, #tpu.memory_space<semaphore_mem>>)
    %dma_wait3A = arith.constant 0 : i32
    %dma_wait3A_7 = arith.constant 0 : i32
    %dma_wait3A_8 = tpu.memref_slice %arg4[%dma_wait3A, %dma_wait3A_7] : memref<5120x1024xf32, #tpu.memory_space<hbm>> -> memref<5120x1024xf32, #tpu.memory_space<hbm>>
    tpu.wait_indirect_dma semaphore(%arg11 : memref<!tpu.dma_semaphore, #tpu.memory_space<semaphore_mem>>) src(%dma_wait3A_8 : memref<5120x1024xf32, #tpu.memory_space<hbm>>) dst(%arg9 : memref<32x1024xf32, #tpu.memory_space<vmem>>)
    "tpu.region"() ({
      %run_scoped3A = tpu.sem_alloc : memref<!tpu.dma_semaphore, #tpu.memory_space<semaphore_mem>>
      %dma_start3A_31 = arith.constant 0 : i32
      %dma_start3A_32 = tpu.memref_slice %arg5[%add3A_4, %dma_start3A_31] : memref<2048x1024xf32, #tpu.memory_space<hbm>> -> memref<32x1024xf32, #tpu.memory_space<hbm>>
      %dma_start3A_33 = arith.constant 0 : i32
      %dma_start3A_34 = tpu.memref_slice %arg5[%add3A_4, %dma_start3A_33] : memref<2048x1024xf32, #tpu.memory_space<hbm>> -> memref<32x1024xf32, #tpu.memory_space<hbm>>
      tpu.enqueue_dma source(%arg9 : memref<32x1024xf32, #tpu.memory_space<vmem>>) target(%dma_start3A_34 : memref<32x1024xf32, #tpu.memory_space<hbm>>) target_semaphore(%run_scoped3A : memref<!tpu.dma_semaphore, #tpu.memory_space<semaphore_mem>>)
      %dma_wait3A_35 = arith.constant 0 : i32
      %dma_wait3A_36 = tpu.memref_slice %arg5[%add3A_4, %dma_wait3A_35] : memref<2048x1024xf32, #tpu.memory_space<hbm>> -> memref<32x1024xf32, #tpu.memory_space<hbm>>
      %dma_wait3A_37 = arith.constant 0 : i32
      %dma_wait3A_38 = tpu.memref_slice %arg5[%add3A_4, %dma_wait3A_37] : memref<2048x1024xf32, #tpu.memory_space<hbm>> -> memref<32x1024xf32, #tpu.memory_space<hbm>>
      tpu.wait_dma2 semaphore(%run_scoped3A : memref<!tpu.dma_semaphore, #tpu.memory_space<semaphore_mem>>) src(%arg9 : memref<32x1024xf32, #tpu.memory_space<vmem>>) dst(%dma_wait3A_38 : memref<32x1024xf32, #tpu.memory_space<hbm>>)
      tpu.yield
    }) : () -> ()
    %dma_start3A_9 = arith.constant 0 : i32
    %dma_start3A_10 = arith.constant 0 : i32
    %dma_start3A_11 = tpu.memref_slice %arg4[%dma_start3A_9, %dma_start3A_10] : memref<5120x1024xf32, #tpu.memory_space<hbm>> -> memref<5120x1024xf32, #tpu.memory_space<hbm>>
    tpu.enqueue_indirect_dma source(%dma_start3A_11 : memref<5120x1024xf32, #tpu.memory_space<hbm>>) target(%arg10 : memref<32x1024xf32, #tpu.memory_space<vmem>>) offsets(%arg8 : memref<32xi32, #tpu.memory_space<vmem>>) semaphore(%arg11 : memref<!tpu.dma_semaphore, #tpu.memory_space<semaphore_mem>>)
    %dma_wait3A_12 = arith.constant 0 : i32
    %dma_wait3A_13 = arith.constant 0 : i32
    %dma_wait3A_14 = tpu.memref_slice %arg4[%dma_wait3A_12, %dma_wait3A_13] : memref<5120x1024xf32, #tpu.memory_space<hbm>> -> memref<5120x1024xf32, #tpu.memory_space<hbm>>
    tpu.wait_indirect_dma semaphore(%arg11 : memref<!tpu.dma_semaphore, #tpu.memory_space<semaphore_mem>>) src(%dma_wait3A_14 : memref<5120x1024xf32, #tpu.memory_space<hbm>>) dst(%arg10 : memref<32x1024xf32, #tpu.memory_space<vmem>>)
    "tpu.region"() ({
      %run_scoped3A = tpu.sem_alloc : memref<!tpu.dma_semaphore, #tpu.memory_space<semaphore_mem>>
      %dma_start3A_31 = arith.constant 0 : i32
      %dma_start3A_32 = tpu.memref_slice %arg6[%add3A_4, %dma_start3A_31] : memref<2048x1024xf32, #tpu.memory_space<hbm>> -> memref<32x1024xf32, #tpu.memory_space<hbm>>
      %dma_start3A_33 = arith.constant 0 : i32
      %dma_start3A_34 = tpu.memref_slice %arg6[%add3A_4, %dma_start3A_33] : memref<2048x1024xf32, #tpu.memory_space<hbm>> -> memref<32x1024xf32, #tpu.memory_space<hbm>>
      tpu.enqueue_dma source(%arg10 : memref<32x1024xf32, #tpu.memory_space<vmem>>) target(%dma_start3A_34 : memref<32x1024xf32, #tpu.memory_space<hbm>>) target_semaphore(%run_scoped3A : memref<!tpu.dma_semaphore, #tpu.memory_space<semaphore_mem>>)
      %dma_wait3A_35 = arith.constant 0 : i32
      %dma_wait3A_36 = tpu.memref_slice %arg6[%add3A_4, %dma_wait3A_35] : memref<2048x1024xf32, #tpu.memory_space<hbm>> -> memref<32x1024xf32, #tpu.memory_space<hbm>>
      %dma_wait3A_37 = arith.constant 0 : i32
      %dma_wait3A_38 = tpu.memref_slice %arg6[%add3A_4, %dma_wait3A_37] : memref<2048x1024xf32, #tpu.memory_space<hbm>> -> memref<32x1024xf32, #tpu.memory_space<hbm>>
      tpu.wait_dma2 semaphore(%run_scoped3A : memref<!tpu.dma_semaphore, #tpu.memory_space<semaphore_mem>>) src(%arg10 : memref<32x1024xf32, #tpu.memory_space<vmem>>) dst(%dma_wait3A_38 : memref<32x1024xf32, #tpu.memory_space<hbm>>)
      tpu.yield
    }) : () -> ()
    %mul3A_15 = arith.constant 64 : i32
    %mul3A_16 = arith.muli %add3A, %mul3A_15 : i32
    %add3A_17 = arith.constant 32 : i32
    %add3A_18 = arith.addi %mul3A_16, %add3A_17 : i32
    "tpu.region"() ({
      %run_scoped3A = tpu.sem_alloc : memref<!tpu.dma_semaphore, #tpu.memory_space<semaphore_mem>>
      %dma_start3A_31 = tpu.memref_slice %arg2[%add3A_18] : memref<2048xi32, #tpu.memory_space<hbm>> -> memref<32xi32, #tpu.memory_space<hbm>>
      %dma_start3A_32 = tpu.memref_slice %arg2[%add3A_18] : memref<2048xi32, #tpu.memory_space<hbm>> -> memref<32xi32, #tpu.memory_space<hbm>>
      tpu.enqueue_dma source(%dma_start3A_32 : memref<32xi32, #tpu.memory_space<hbm>>) target(%arg7 : memref<32xi32, #tpu.memory_space<vmem>>) target_semaphore(%run_scoped3A : memref<!tpu.dma_semaphore, #tpu.memory_space<semaphore_mem>>)
      %dma_wait3A_33 = tpu.memref_slice %arg2[%add3A_18] : memref<2048xi32, #tpu.memory_space<hbm>> -> memref<32xi32, #tpu.memory_space<hbm>>
      %dma_wait3A_34 = tpu.memref_slice %arg2[%add3A_18] : memref<2048xi32, #tpu.memory_space<hbm>> -> memref<32xi32, #tpu.memory_space<hbm>>
      tpu.wait_dma2 semaphore(%run_scoped3A : memref<!tpu.dma_semaphore, #tpu.memory_space<semaphore_mem>>) src(%dma_wait3A_34 : memref<32xi32, #tpu.memory_space<hbm>>) dst(%arg7 : memref<32xi32, #tpu.memory_space<vmem>>)
      tpu.yield
    }) : () -> ()
    "tpu.region"() ({
      %run_scoped3A = tpu.sem_alloc : memref<!tpu.dma_semaphore, #tpu.memory_space<semaphore_mem>>
      %dma_start3A_31 = tpu.memref_slice %arg3[%add3A_18] : memref<2048xi32, #tpu.memory_space<hbm>> -> memref<32xi32, #tpu.memory_space<hbm>>
      %dma_start3A_32 = tpu.memref_slice %arg3[%add3A_18] : memref<2048xi32, #tpu.memory_space<hbm>> -> memref<32xi32, #tpu.memory_space<hbm>>
      tpu.enqueue_dma source(%dma_start3A_32 : memref<32xi32, #tpu.memory_space<hbm>>) target(%arg8 : memref<32xi32, #tpu.memory_space<vmem>>) target_semaphore(%run_scoped3A : memref<!tpu.dma_semaphore, #tpu.memory_space<semaphore_mem>>)
      %dma_wait3A_33 = tpu.memref_slice %arg3[%add3A_18] : memref<2048xi32, #tpu.memory_space<hbm>> -> memref<32xi32, #tpu.memory_space<hbm>>
      %dma_wait3A_34 = tpu.memref_slice %arg3[%add3A_18] : memref<2048xi32, #tpu.memory_space<hbm>> -> memref<32xi32, #tpu.memory_space<hbm>>
      tpu.wait_dma2 semaphore(%run_scoped3A : memref<!tpu.dma_semaphore, #tpu.memory_space<semaphore_mem>>) src(%dma_wait3A_34 : memref<32xi32, #tpu.memory_space<hbm>>) dst(%arg8 : memref<32xi32, #tpu.memory_space<vmem>>)
      tpu.yield
    }) : () -> ()
    %dma_start3A_19 = arith.constant 0 : i32
    %dma_start3A_20 = arith.constant 0 : i32
    %dma_start3A_21 = tpu.memref_slice %arg4[%dma_start3A_19, %dma_start3A_20] : memref<5120x1024xf32, #tpu.memory_space<hbm>> -> memref<5120x1024xf32, #tpu.memory_space<hbm>>
    tpu.enqueue_indirect_dma source(%dma_start3A_21 : memref<5120x1024xf32, #tpu.memory_space<hbm>>) target(%arg9 : memref<32x1024xf32, #tpu.memory_space<vmem>>) offsets(%arg7 : memref<32xi32, #tpu.memory_space<vmem>>) semaphore(%arg11 : memref<!tpu.dma_semaphore, #tpu.memory_space<semaphore_mem>>)
    %dma_wait3A_22 = arith.constant 0 : i32
    %dma_wait3A_23 = arith.constant 0 : i32
    %dma_wait3A_24 = tpu.memref_slice %arg4[%dma_wait3A_22, %dma_wait3A_23] : memref<5120x1024xf32, #tpu.memory_space<hbm>> -> memref<5120x1024xf32, #tpu.memory_space<hbm>>
    tpu.wait_indirect_dma semaphore(%arg11 : memref<!tpu.dma_semaphore, #tpu.memory_space<semaphore_mem>>) src(%dma_wait3A_24 : memref<5120x1024xf32, #tpu.memory_space<hbm>>) dst(%arg9 : memref<32x1024xf32, #tpu.memory_space<vmem>>)
    "tpu.region"() ({
      %run_scoped3A = tpu.sem_alloc : memref<!tpu.dma_semaphore, #tpu.memory_space<semaphore_mem>>
      %dma_start3A_31 = arith.constant 0 : i32
      %dma_start3A_32 = tpu.memref_slice %arg5[%add3A_18, %dma_start3A_31] : memref<2048x1024xf32, #tpu.memory_space<hbm>> -> memref<32x1024xf32, #tpu.memory_space<hbm>>
      %dma_start3A_33 = arith.constant 0 : i32
      %dma_start3A_34 = tpu.memref_slice %arg5[%add3A_18, %dma_start3A_33] : memref<2048x1024xf32, #tpu.memory_space<hbm>> -> memref<32x1024xf32, #tpu.memory_space<hbm>>
      tpu.enqueue_dma source(%arg9 : memref<32x1024xf32, #tpu.memory_space<vmem>>) target(%dma_start3A_34 : memref<32x1024xf32, #tpu.memory_space<hbm>>) target_semaphore(%run_scoped3A : memref<!tpu.dma_semaphore, #tpu.memory_space<semaphore_mem>>)
      %dma_wait3A_35 = arith.constant 0 : i32
      %dma_wait3A_36 = tpu.memref_slice %arg5[%add3A_18, %dma_wait3A_35] : memref<2048x1024xf32, #tpu.memory_space<hbm>> -> memref<32x1024xf32, #tpu.memory_space<hbm>>
      %dma_wait3A_37 = arith.constant 0 : i32
      %dma_wait3A_38 = tpu.memref_slice %arg5[%add3A_18, %dma_wait3A_37] : memref<2048x1024xf32, #tpu.memory_space<hbm>> -> memref<32x1024xf32, #tpu.memory_space<hbm>>
      tpu.wait_dma2 semaphore(%run_scoped3A : memref<!tpu.dma_semaphore, #tpu.memory_space<semaphore_mem>>) src(%arg9 : memref<32x1024xf32, #tpu.memory_space<vmem>>) dst(%dma_wait3A_38 : memref<32x1024xf32, #tpu.memory_space<hbm>>)
      tpu.yield
    }) : () -> ()
    %dma_start3A_25 = arith.constant 0 : i32
    %dma_start3A_26 = arith.constant 0 : i32
    %dma_start3A_27 = tpu.memref_slice %arg4[%dma_start3A_25, %dma_start3A_26] : memref<5120x1024xf32, #tpu.memory_space<hbm>> -> memref<5120x1024xf32, #tpu.memory_space<hbm>>
    tpu.enqueue_indirect_dma source(%dma_start3A_27 : memref<5120x1024xf32, #tpu.memory_space<hbm>>) target(%arg10 : memref<32x1024xf32, #tpu.memory_space<vmem>>) offsets(%arg8 : memref<32xi32, #tpu.memory_space<vmem>>) semaphore(%arg11 : memref<!tpu.dma_semaphore, #tpu.memory_space<semaphore_mem>>)
    %dma_wait3A_28 = arith.constant 0 : i32
    %dma_wait3A_29 = arith.constant 0 : i32
    %dma_wait3A_30 = tpu.memref_slice %arg4[%dma_wait3A_28, %dma_wait3A_29] : memref<5120x1024xf32, #tpu.memory_space<hbm>> -> memref<5120x1024xf32, #tpu.memory_space<hbm>>
    tpu.wait_indirect_dma semaphore(%arg11 : memref<!tpu.dma_semaphore, #tpu.memory_space<semaphore_mem>>) src(%dma_wait3A_30 : memref<5120x1024xf32, #tpu.memory_space<hbm>>) dst(%arg10 : memref<32x1024xf32, #tpu.memory_space<vmem>>)
    "tpu.region"() ({
      %run_scoped3A = tpu.sem_alloc : memref<!tpu.dma_semaphore, #tpu.memory_space<semaphore_mem>>
      %dma_start3A_31 = arith.constant 0 : i32
      %dma_start3A_32 = tpu.memref_slice %arg6[%add3A_18, %dma_start3A_31] : memref<2048x1024xf32, #tpu.memory_space<hbm>> -> memref<32x1024xf32, #tpu.memory_space<hbm>>
      %dma_start3A_33 = arith.constant 0 : i32
      %dma_start3A_34 = tpu.memref_slice %arg6[%add3A_18, %dma_start3A_33] : memref<2048x1024xf32, #tpu.memory_space<hbm>> -> memref<32x1024xf32, #tpu.memory_space<hbm>>
      tpu.enqueue_dma source(%arg10 : memref<32x1024xf32, #tpu.memory_space<vmem>>) target(%dma_start3A_34 : memref<32x1024xf32, #tpu.memory_space<hbm>>) target_semaphore(%run_scoped3A : memref<!tpu.dma_semaphore, #tpu.memory_space<semaphore_mem>>)
      %dma_wait3A_35 = arith.constant 0 : i32
      %dma_wait3A_36 = tpu.memref_slice %arg6[%add3A_18, %dma_wait3A_35] : memref<2048x1024xf32, #tpu.memory_space<hbm>> -> memref<32x1024xf32, #tpu.memory_space<hbm>>
      %dma_wait3A_37 = arith.constant 0 : i32
      %dma_wait3A_38 = tpu.memref_slice %arg6[%add3A_18, %dma_wait3A_37] : memref<2048x1024xf32, #tpu.memory_space<hbm>> -> memref<32x1024xf32, #tpu.memory_space<hbm>>
      tpu.wait_dma2 semaphore(%run_scoped3A : memref<!tpu.dma_semaphore, #tpu.memory_space<semaphore_mem>>) src(%arg10 : memref<32x1024xf32, #tpu.memory_space<vmem>>) dst(%dma_wait3A_38 : memref<32x1024xf32, #tpu.memory_space<hbm>>)
      tpu.yield
    }) : () -> ()
    return
  }
}

#map = affine_map<(d0, d1) -> (0)>
#map1 = affine_map<(d0, d1) -> (0, 0)>
module attributes {stable_mosaic.version = 14 : i64} {
  func.func @_gather_body(%arg0: i32, %arg1: i32, %arg2: memref<5120xi32, #tpu.memory_space<hbm>>, %arg3: memref<2048x2176xf32, #tpu.memory_space<hbm>>, %arg4: memref<5120x2176xf32, #tpu.memory_space<hbm>>, %arg5: memref<16xi32, #tpu.memory_space<vmem>>, %arg6: memref<16xi32, #tpu.memory_space<vmem>>, %arg7: memref<16x2176xf32, #tpu.memory_space<vmem>>, %arg8: memref<16x2176xf32, #tpu.memory_space<vmem>>, %arg9: memref<!tpu.dma_semaphore, #tpu.memory_space<semaphore_mem>>, %arg10: memref<!tpu.dma_semaphore, #tpu.memory_space<semaphore_mem>>) attributes {dimension_semantics = [#tpu.dimension_semantics<core_parallel>, #tpu.dimension_semantics<subcore_parallel>], iteration_bounds = array<i64: 2, 16>, scalar_prefetch = 0 : i64, scratch_operands = 6 : i64, tpu.core_type = #tpu.core_type<sc_vector_subcore>, window_params = [{transform_indices = #map}, {transform_indices = #map1}, {transform_indices = #map1}]} {
    %mul3A = arith.constant 2 : i32
    %mul3A_0 = arith.muli %arg1, %mul3A : i32
    %add3A = arith.addi %mul3A_0, %arg0 : i32
    %mul3A_1 = arith.constant 160 : i32
    %mul3A_2 = arith.muli %add3A, %mul3A_1 : i32
    "tpu.region"() ({
      %run_scoped3A = tpu.sem_alloc : memref<!tpu.dma_semaphore, #tpu.memory_space<semaphore_mem>>
      %dma_start3A_137 = tpu.memref_slice %arg2[%mul3A_2] : memref<5120xi32, #tpu.memory_space<hbm>> -> memref<16xi32, #tpu.memory_space<hbm>>
      %dma_start3A_138 = tpu.memref_slice %arg2[%mul3A_2] : memref<5120xi32, #tpu.memory_space<hbm>> -> memref<16xi32, #tpu.memory_space<hbm>>
      tpu.enqueue_dma source(%dma_start3A_138 : memref<16xi32, #tpu.memory_space<hbm>>) target(%arg5 : memref<16xi32, #tpu.memory_space<vmem>>) target_semaphore(%run_scoped3A : memref<!tpu.dma_semaphore, #tpu.memory_space<semaphore_mem>>)
      %dma_wait3A_139 = tpu.memref_slice %arg2[%mul3A_2] : memref<5120xi32, #tpu.memory_space<hbm>> -> memref<16xi32, #tpu.memory_space<hbm>>
      %dma_wait3A_140 = tpu.memref_slice %arg2[%mul3A_2] : memref<5120xi32, #tpu.memory_space<hbm>> -> memref<16xi32, #tpu.memory_space<hbm>>
      tpu.wait_dma2 semaphore(%run_scoped3A : memref<!tpu.dma_semaphore, #tpu.memory_space<semaphore_mem>>) src(%dma_wait3A_140 : memref<16xi32, #tpu.memory_space<hbm>>) dst(%arg5 : memref<16xi32, #tpu.memory_space<vmem>>)
      tpu.yield
    }) : () -> ()
    %dma_start3A = arith.constant 0 : i32
    %dma_start3A_3 = arith.constant 0 : i32
    %dma_start3A_4 = tpu.memref_slice %arg3[%dma_start3A, %dma_start3A_3] : memref<2048x2176xf32, #tpu.memory_space<hbm>> -> memref<2048x2176xf32, #tpu.memory_space<hbm>>
    tpu.enqueue_indirect_dma source(%dma_start3A_4 : memref<2048x2176xf32, #tpu.memory_space<hbm>>) target(%arg7 : memref<16x2176xf32, #tpu.memory_space<vmem>>) offsets(%arg5 : memref<16xi32, #tpu.memory_space<vmem>>) semaphore(%arg9 : memref<!tpu.dma_semaphore, #tpu.memory_space<semaphore_mem>>)
    %mul3A_5 = arith.constant 160 : i32
    %mul3A_6 = arith.muli %add3A, %mul3A_5 : i32
    %add3A_7 = arith.constant 16 : i32
    %add3A_8 = arith.addi %mul3A_6, %add3A_7 : i32
    "tpu.region"() ({
      %run_scoped3A = tpu.sem_alloc : memref<!tpu.dma_semaphore, #tpu.memory_space<semaphore_mem>>
      %dma_start3A_137 = tpu.memref_slice %arg2[%add3A_8] : memref<5120xi32, #tpu.memory_space<hbm>> -> memref<16xi32, #tpu.memory_space<hbm>>
      %dma_start3A_138 = tpu.memref_slice %arg2[%add3A_8] : memref<5120xi32, #tpu.memory_space<hbm>> -> memref<16xi32, #tpu.memory_space<hbm>>
      tpu.enqueue_dma source(%dma_start3A_138 : memref<16xi32, #tpu.memory_space<hbm>>) target(%arg6 : memref<16xi32, #tpu.memory_space<vmem>>) target_semaphore(%run_scoped3A : memref<!tpu.dma_semaphore, #tpu.memory_space<semaphore_mem>>)
      %dma_wait3A_139 = tpu.memref_slice %arg2[%add3A_8] : memref<5120xi32, #tpu.memory_space<hbm>> -> memref<16xi32, #tpu.memory_space<hbm>>
      %dma_wait3A_140 = tpu.memref_slice %arg2[%add3A_8] : memref<5120xi32, #tpu.memory_space<hbm>> -> memref<16xi32, #tpu.memory_space<hbm>>
      tpu.wait_dma2 semaphore(%run_scoped3A : memref<!tpu.dma_semaphore, #tpu.memory_space<semaphore_mem>>) src(%dma_wait3A_140 : memref<16xi32, #tpu.memory_space<hbm>>) dst(%arg6 : memref<16xi32, #tpu.memory_space<vmem>>)
      tpu.yield
    }) : () -> ()
    %dma_start3A_9 = arith.constant 0 : i32
    %dma_start3A_10 = arith.constant 0 : i32
    %dma_start3A_11 = tpu.memref_slice %arg3[%dma_start3A_9, %dma_start3A_10] : memref<2048x2176xf32, #tpu.memory_space<hbm>> -> memref<2048x2176xf32, #tpu.memory_space<hbm>>
    tpu.enqueue_indirect_dma source(%dma_start3A_11 : memref<2048x2176xf32, #tpu.memory_space<hbm>>) target(%arg8 : memref<16x2176xf32, #tpu.memory_space<vmem>>) offsets(%arg6 : memref<16xi32, #tpu.memory_space<vmem>>) semaphore(%arg10 : memref<!tpu.dma_semaphore, #tpu.memory_space<semaphore_mem>>)
    %dma_wait3A = arith.constant 0 : i32
    %dma_wait3A_12 = arith.constant 0 : i32
    %dma_wait3A_13 = tpu.memref_slice %arg3[%dma_wait3A, %dma_wait3A_12] : memref<2048x2176xf32, #tpu.memory_space<hbm>> -> memref<2048x2176xf32, #tpu.memory_space<hbm>>
    tpu.wait_indirect_dma semaphore(%arg9 : memref<!tpu.dma_semaphore, #tpu.memory_space<semaphore_mem>>) src(%dma_wait3A_13 : memref<2048x2176xf32, #tpu.memory_space<hbm>>) dst(%arg7 : memref<16x2176xf32, #tpu.memory_space<vmem>>)
    %mul3A_14 = arith.constant 160 : i32
    %mul3A_15 = arith.muli %add3A, %mul3A_14 : i32
    %add3A_16 = arith.constant 0 : i32
    %add3A_17 = arith.addi %mul3A_15, %add3A_16 : i32
    "tpu.region"() ({
      %run_scoped3A = tpu.sem_alloc : memref<!tpu.dma_semaphore, #tpu.memory_space<semaphore_mem>>
      %dma_start3A_137 = arith.constant 0 : i32
      %dma_start3A_138 = tpu.memref_slice %arg4[%add3A_17, %dma_start3A_137] : memref<5120x2176xf32, #tpu.memory_space<hbm>> -> memref<16x2176xf32, #tpu.memory_space<hbm>>
      %dma_start3A_139 = arith.constant 0 : i32
      %dma_start3A_140 = tpu.memref_slice %arg4[%add3A_17, %dma_start3A_139] : memref<5120x2176xf32, #tpu.memory_space<hbm>> -> memref<16x2176xf32, #tpu.memory_space<hbm>>
      tpu.enqueue_dma source(%arg7 : memref<16x2176xf32, #tpu.memory_space<vmem>>) target(%dma_start3A_140 : memref<16x2176xf32, #tpu.memory_space<hbm>>) target_semaphore(%run_scoped3A : memref<!tpu.dma_semaphore, #tpu.memory_space<semaphore_mem>>)
      %dma_wait3A_141 = arith.constant 0 : i32
      %dma_wait3A_142 = tpu.memref_slice %arg4[%add3A_17, %dma_wait3A_141] : memref<5120x2176xf32, #tpu.memory_space<hbm>> -> memref<16x2176xf32, #tpu.memory_space<hbm>>
      %dma_wait3A_143 = arith.constant 0 : i32
      %dma_wait3A_144 = tpu.memref_slice %arg4[%add3A_17, %dma_wait3A_143] : memref<5120x2176xf32, #tpu.memory_space<hbm>> -> memref<16x2176xf32, #tpu.memory_space<hbm>>
      tpu.wait_dma2 semaphore(%run_scoped3A : memref<!tpu.dma_semaphore, #tpu.memory_space<semaphore_mem>>) src(%arg7 : memref<16x2176xf32, #tpu.memory_space<vmem>>) dst(%dma_wait3A_144 : memref<16x2176xf32, #tpu.memory_space<hbm>>)
      tpu.yield
    }) : () -> ()
    %mul3A_18 = arith.constant 160 : i32
    %mul3A_19 = arith.muli %add3A, %mul3A_18 : i32
    %add3A_20 = arith.constant 32 : i32
    %add3A_21 = arith.addi %mul3A_19, %add3A_20 : i32
    "tpu.region"() ({
      %run_scoped3A = tpu.sem_alloc : memref<!tpu.dma_semaphore, #tpu.memory_space<semaphore_mem>>
      %dma_start3A_137 = tpu.memref_slice %arg2[%add3A_21] : memref<5120xi32, #tpu.memory_space<hbm>> -> memref<16xi32, #tpu.memory_space<hbm>>
      %dma_start3A_138 = tpu.memref_slice %arg2[%add3A_21] : memref<5120xi32, #tpu.memory_space<hbm>> -> memref<16xi32, #tpu.memory_space<hbm>>
      tpu.enqueue_dma source(%dma_start3A_138 : memref<16xi32, #tpu.memory_space<hbm>>) target(%arg5 : memref<16xi32, #tpu.memory_space<vmem>>) target_semaphore(%run_scoped3A : memref<!tpu.dma_semaphore, #tpu.memory_space<semaphore_mem>>)
      %dma_wait3A_139 = tpu.memref_slice %arg2[%add3A_21] : memref<5120xi32, #tpu.memory_space<hbm>> -> memref<16xi32, #tpu.memory_space<hbm>>
      %dma_wait3A_140 = tpu.memref_slice %arg2[%add3A_21] : memref<5120xi32, #tpu.memory_space<hbm>> -> memref<16xi32, #tpu.memory_space<hbm>>
      tpu.wait_dma2 semaphore(%run_scoped3A : memref<!tpu.dma_semaphore, #tpu.memory_space<semaphore_mem>>) src(%dma_wait3A_140 : memref<16xi32, #tpu.memory_space<hbm>>) dst(%arg5 : memref<16xi32, #tpu.memory_space<vmem>>)
      tpu.yield
    }) : () -> ()
    %dma_start3A_22 = arith.constant 0 : i32
    %dma_start3A_23 = arith.constant 0 : i32
    %dma_start3A_24 = tpu.memref_slice %arg3[%dma_start3A_22, %dma_start3A_23] : memref<2048x2176xf32, #tpu.memory_space<hbm>> -> memref<2048x2176xf32, #tpu.memory_space<hbm>>
    tpu.enqueue_indirect_dma source(%dma_start3A_24 : memref<2048x2176xf32, #tpu.memory_space<hbm>>) target(%arg7 : memref<16x2176xf32, #tpu.memory_space<vmem>>) offsets(%arg5 : memref<16xi32, #tpu.memory_space<vmem>>) semaphore(%arg9 : memref<!tpu.dma_semaphore, #tpu.memory_space<semaphore_mem>>)
    %dma_wait3A_25 = arith.constant 0 : i32
    %dma_wait3A_26 = arith.constant 0 : i32
    %dma_wait3A_27 = tpu.memref_slice %arg3[%dma_wait3A_25, %dma_wait3A_26] : memref<2048x2176xf32, #tpu.memory_space<hbm>> -> memref<2048x2176xf32, #tpu.memory_space<hbm>>
    tpu.wait_indirect_dma semaphore(%arg10 : memref<!tpu.dma_semaphore, #tpu.memory_space<semaphore_mem>>) src(%dma_wait3A_27 : memref<2048x2176xf32, #tpu.memory_space<hbm>>) dst(%arg8 : memref<16x2176xf32, #tpu.memory_space<vmem>>)
    %mul3A_28 = arith.constant 160 : i32
    %mul3A_29 = arith.muli %add3A, %mul3A_28 : i32
    %add3A_30 = arith.constant 16 : i32
    %add3A_31 = arith.addi %mul3A_29, %add3A_30 : i32
    "tpu.region"() ({
      %run_scoped3A = tpu.sem_alloc : memref<!tpu.dma_semaphore, #tpu.memory_space<semaphore_mem>>
      %dma_start3A_137 = arith.constant 0 : i32
      %dma_start3A_138 = tpu.memref_slice %arg4[%add3A_31, %dma_start3A_137] : memref<5120x2176xf32, #tpu.memory_space<hbm>> -> memref<16x2176xf32, #tpu.memory_space<hbm>>
      %dma_start3A_139 = arith.constant 0 : i32
      %dma_start3A_140 = tpu.memref_slice %arg4[%add3A_31, %dma_start3A_139] : memref<5120x2176xf32, #tpu.memory_space<hbm>> -> memref<16x2176xf32, #tpu.memory_space<hbm>>
      tpu.enqueue_dma source(%arg8 : memref<16x2176xf32, #tpu.memory_space<vmem>>) target(%dma_start3A_140 : memref<16x2176xf32, #tpu.memory_space<hbm>>) target_semaphore(%run_scoped3A : memref<!tpu.dma_semaphore, #tpu.memory_space<semaphore_mem>>)
      %dma_wait3A_141 = arith.constant 0 : i32
      %dma_wait3A_142 = tpu.memref_slice %arg4[%add3A_31, %dma_wait3A_141] : memref<5120x2176xf32, #tpu.memory_space<hbm>> -> memref<16x2176xf32, #tpu.memory_space<hbm>>
      %dma_wait3A_143 = arith.constant 0 : i32
      %dma_wait3A_144 = tpu.memref_slice %arg4[%add3A_31, %dma_wait3A_143] : memref<5120x2176xf32, #tpu.memory_space<hbm>> -> memref<16x2176xf32, #tpu.memory_space<hbm>>
      tpu.wait_dma2 semaphore(%run_scoped3A : memref<!tpu.dma_semaphore, #tpu.memory_space<semaphore_mem>>) src(%arg8 : memref<16x2176xf32, #tpu.memory_space<vmem>>) dst(%dma_wait3A_144 : memref<16x2176xf32, #tpu.memory_space<hbm>>)
      tpu.yield
    }) : () -> ()
    %mul3A_32 = arith.constant 160 : i32
    %mul3A_33 = arith.muli %add3A, %mul3A_32 : i32
    %add3A_34 = arith.constant 48 : i32
    %add3A_35 = arith.addi %mul3A_33, %add3A_34 : i32
    "tpu.region"() ({
      %run_scoped3A = tpu.sem_alloc : memref<!tpu.dma_semaphore, #tpu.memory_space<semaphore_mem>>
      %dma_start3A_137 = tpu.memref_slice %arg2[%add3A_35] : memref<5120xi32, #tpu.memory_space<hbm>> -> memref<16xi32, #tpu.memory_space<hbm>>
      %dma_start3A_138 = tpu.memref_slice %arg2[%add3A_35] : memref<5120xi32, #tpu.memory_space<hbm>> -> memref<16xi32, #tpu.memory_space<hbm>>
      tpu.enqueue_dma source(%dma_start3A_138 : memref<16xi32, #tpu.memory_space<hbm>>) target(%arg6 : memref<16xi32, #tpu.memory_space<vmem>>) target_semaphore(%run_scoped3A : memref<!tpu.dma_semaphore, #tpu.memory_space<semaphore_mem>>)
      %dma_wait3A_139 = tpu.memref_slice %arg2[%add3A_35] : memref<5120xi32, #tpu.memory_space<hbm>> -> memref<16xi32, #tpu.memory_space<hbm>>
      %dma_wait3A_140 = tpu.memref_slice %arg2[%add3A_35] : memref<5120xi32, #tpu.memory_space<hbm>> -> memref<16xi32, #tpu.memory_space<hbm>>
      tpu.wait_dma2 semaphore(%run_scoped3A : memref<!tpu.dma_semaphore, #tpu.memory_space<semaphore_mem>>) src(%dma_wait3A_140 : memref<16xi32, #tpu.memory_space<hbm>>) dst(%arg6 : memref<16xi32, #tpu.memory_space<vmem>>)
      tpu.yield
    }) : () -> ()
    %dma_start3A_36 = arith.constant 0 : i32
    %dma_start3A_37 = arith.constant 0 : i32
    %dma_start3A_38 = tpu.memref_slice %arg3[%dma_start3A_36, %dma_start3A_37] : memref<2048x2176xf32, #tpu.memory_space<hbm>> -> memref<2048x2176xf32, #tpu.memory_space<hbm>>
    tpu.enqueue_indirect_dma source(%dma_start3A_38 : memref<2048x2176xf32, #tpu.memory_space<hbm>>) target(%arg8 : memref<16x2176xf32, #tpu.memory_space<vmem>>) offsets(%arg6 : memref<16xi32, #tpu.memory_space<vmem>>) semaphore(%arg10 : memref<!tpu.dma_semaphore, #tpu.memory_space<semaphore_mem>>)
    %dma_wait3A_39 = arith.constant 0 : i32
    %dma_wait3A_40 = arith.constant 0 : i32
    %dma_wait3A_41 = tpu.memref_slice %arg3[%dma_wait3A_39, %dma_wait3A_40] : memref<2048x2176xf32, #tpu.memory_space<hbm>> -> memref<2048x2176xf32, #tpu.memory_space<hbm>>
    tpu.wait_indirect_dma semaphore(%arg9 : memref<!tpu.dma_semaphore, #tpu.memory_space<semaphore_mem>>) src(%dma_wait3A_41 : memref<2048x2176xf32, #tpu.memory_space<hbm>>) dst(%arg7 : memref<16x2176xf32, #tpu.memory_space<vmem>>)
    %mul3A_42 = arith.constant 160 : i32
    %mul3A_43 = arith.muli %add3A, %mul3A_42 : i32
    %add3A_44 = arith.constant 32 : i32
    %add3A_45 = arith.addi %mul3A_43, %add3A_44 : i32
    "tpu.region"() ({
      %run_scoped3A = tpu.sem_alloc : memref<!tpu.dma_semaphore, #tpu.memory_space<semaphore_mem>>
      %dma_start3A_137 = arith.constant 0 : i32
      %dma_start3A_138 = tpu.memref_slice %arg4[%add3A_45, %dma_start3A_137] : memref<5120x2176xf32, #tpu.memory_space<hbm>> -> memref<16x2176xf32, #tpu.memory_space<hbm>>
      %dma_start3A_139 = arith.constant 0 : i32
      %dma_start3A_140 = tpu.memref_slice %arg4[%add3A_45, %dma_start3A_139] : memref<5120x2176xf32, #tpu.memory_space<hbm>> -> memref<16x2176xf32, #tpu.memory_space<hbm>>
      tpu.enqueue_dma source(%arg7 : memref<16x2176xf32, #tpu.memory_space<vmem>>) target(%dma_start3A_140 : memref<16x2176xf32, #tpu.memory_space<hbm>>) target_semaphore(%run_scoped3A : memref<!tpu.dma_semaphore, #tpu.memory_space<semaphore_mem>>)
      %dma_wait3A_141 = arith.constant 0 : i32
      %dma_wait3A_142 = tpu.memref_slice %arg4[%add3A_45, %dma_wait3A_141] : memref<5120x2176xf32, #tpu.memory_space<hbm>> -> memref<16x2176xf32, #tpu.memory_space<hbm>>
      %dma_wait3A_143 = arith.constant 0 : i32
      %dma_wait3A_144 = tpu.memref_slice %arg4[%add3A_45, %dma_wait3A_143] : memref<5120x2176xf32, #tpu.memory_space<hbm>> -> memref<16x2176xf32, #tpu.memory_space<hbm>>
      tpu.wait_dma2 semaphore(%run_scoped3A : memref<!tpu.dma_semaphore, #tpu.memory_space<semaphore_mem>>) src(%arg7 : memref<16x2176xf32, #tpu.memory_space<vmem>>) dst(%dma_wait3A_144 : memref<16x2176xf32, #tpu.memory_space<hbm>>)
      tpu.yield
    }) : () -> ()
    %mul3A_46 = arith.constant 160 : i32
    %mul3A_47 = arith.muli %add3A, %mul3A_46 : i32
    %add3A_48 = arith.constant 64 : i32
    %add3A_49 = arith.addi %mul3A_47, %add3A_48 : i32
    "tpu.region"() ({
      %run_scoped3A = tpu.sem_alloc : memref<!tpu.dma_semaphore, #tpu.memory_space<semaphore_mem>>
      %dma_start3A_137 = tpu.memref_slice %arg2[%add3A_49] : memref<5120xi32, #tpu.memory_space<hbm>> -> memref<16xi32, #tpu.memory_space<hbm>>
      %dma_start3A_138 = tpu.memref_slice %arg2[%add3A_49] : memref<5120xi32, #tpu.memory_space<hbm>> -> memref<16xi32, #tpu.memory_space<hbm>>
      tpu.enqueue_dma source(%dma_start3A_138 : memref<16xi32, #tpu.memory_space<hbm>>) target(%arg5 : memref<16xi32, #tpu.memory_space<vmem>>) target_semaphore(%run_scoped3A : memref<!tpu.dma_semaphore, #tpu.memory_space<semaphore_mem>>)
      %dma_wait3A_139 = tpu.memref_slice %arg2[%add3A_49] : memref<5120xi32, #tpu.memory_space<hbm>> -> memref<16xi32, #tpu.memory_space<hbm>>
      %dma_wait3A_140 = tpu.memref_slice %arg2[%add3A_49] : memref<5120xi32, #tpu.memory_space<hbm>> -> memref<16xi32, #tpu.memory_space<hbm>>
      tpu.wait_dma2 semaphore(%run_scoped3A : memref<!tpu.dma_semaphore, #tpu.memory_space<semaphore_mem>>) src(%dma_wait3A_140 : memref<16xi32, #tpu.memory_space<hbm>>) dst(%arg5 : memref<16xi32, #tpu.memory_space<vmem>>)
      tpu.yield
    }) : () -> ()
    %dma_start3A_50 = arith.constant 0 : i32
    %dma_start3A_51 = arith.constant 0 : i32
    %dma_start3A_52 = tpu.memref_slice %arg3[%dma_start3A_50, %dma_start3A_51] : memref<2048x2176xf32, #tpu.memory_space<hbm>> -> memref<2048x2176xf32, #tpu.memory_space<hbm>>
    tpu.enqueue_indirect_dma source(%dma_start3A_52 : memref<2048x2176xf32, #tpu.memory_space<hbm>>) target(%arg7 : memref<16x2176xf32, #tpu.memory_space<vmem>>) offsets(%arg5 : memref<16xi32, #tpu.memory_space<vmem>>) semaphore(%arg9 : memref<!tpu.dma_semaphore, #tpu.memory_space<semaphore_mem>>)
    %dma_wait3A_53 = arith.constant 0 : i32
    %dma_wait3A_54 = arith.constant 0 : i32
    %dma_wait3A_55 = tpu.memref_slice %arg3[%dma_wait3A_53, %dma_wait3A_54] : memref<2048x2176xf32, #tpu.memory_space<hbm>> -> memref<2048x2176xf32, #tpu.memory_space<hbm>>
    tpu.wait_indirect_dma semaphore(%arg10 : memref<!tpu.dma_semaphore, #tpu.memory_space<semaphore_mem>>) src(%dma_wait3A_55 : memref<2048x2176xf32, #tpu.memory_space<hbm>>) dst(%arg8 : memref<16x2176xf32, #tpu.memory_space<vmem>>)
    %mul3A_56 = arith.constant 160 : i32
    %mul3A_57 = arith.muli %add3A, %mul3A_56 : i32
    %add3A_58 = arith.constant 48 : i32
    %add3A_59 = arith.addi %mul3A_57, %add3A_58 : i32
    "tpu.region"() ({
      %run_scoped3A = tpu.sem_alloc : memref<!tpu.dma_semaphore, #tpu.memory_space<semaphore_mem>>
      %dma_start3A_137 = arith.constant 0 : i32
      %dma_start3A_138 = tpu.memref_slice %arg4[%add3A_59, %dma_start3A_137] : memref<5120x2176xf32, #tpu.memory_space<hbm>> -> memref<16x2176xf32, #tpu.memory_space<hbm>>
      %dma_start3A_139 = arith.constant 0 : i32
      %dma_start3A_140 = tpu.memref_slice %arg4[%add3A_59, %dma_start3A_139] : memref<5120x2176xf32, #tpu.memory_space<hbm>> -> memref<16x2176xf32, #tpu.memory_space<hbm>>
      tpu.enqueue_dma source(%arg8 : memref<16x2176xf32, #tpu.memory_space<vmem>>) target(%dma_start3A_140 : memref<16x2176xf32, #tpu.memory_space<hbm>>) target_semaphore(%run_scoped3A : memref<!tpu.dma_semaphore, #tpu.memory_space<semaphore_mem>>)
      %dma_wait3A_141 = arith.constant 0 : i32
      %dma_wait3A_142 = tpu.memref_slice %arg4[%add3A_59, %dma_wait3A_141] : memref<5120x2176xf32, #tpu.memory_space<hbm>> -> memref<16x2176xf32, #tpu.memory_space<hbm>>
      %dma_wait3A_143 = arith.constant 0 : i32
      %dma_wait3A_144 = tpu.memref_slice %arg4[%add3A_59, %dma_wait3A_143] : memref<5120x2176xf32, #tpu.memory_space<hbm>> -> memref<16x2176xf32, #tpu.memory_space<hbm>>
      tpu.wait_dma2 semaphore(%run_scoped3A : memref<!tpu.dma_semaphore, #tpu.memory_space<semaphore_mem>>) src(%arg8 : memref<16x2176xf32, #tpu.memory_space<vmem>>) dst(%dma_wait3A_144 : memref<16x2176xf32, #tpu.memory_space<hbm>>)
      tpu.yield
    }) : () -> ()
    %mul3A_60 = arith.constant 160 : i32
    %mul3A_61 = arith.muli %add3A, %mul3A_60 : i32
    %add3A_62 = arith.constant 80 : i32
    %add3A_63 = arith.addi %mul3A_61, %add3A_62 : i32
    "tpu.region"() ({
      %run_scoped3A = tpu.sem_alloc : memref<!tpu.dma_semaphore, #tpu.memory_space<semaphore_mem>>
      %dma_start3A_137 = tpu.memref_slice %arg2[%add3A_63] : memref<5120xi32, #tpu.memory_space<hbm>> -> memref<16xi32, #tpu.memory_space<hbm>>
      %dma_start3A_138 = tpu.memref_slice %arg2[%add3A_63] : memref<5120xi32, #tpu.memory_space<hbm>> -> memref<16xi32, #tpu.memory_space<hbm>>
      tpu.enqueue_dma source(%dma_start3A_138 : memref<16xi32, #tpu.memory_space<hbm>>) target(%arg6 : memref<16xi32, #tpu.memory_space<vmem>>) target_semaphore(%run_scoped3A : memref<!tpu.dma_semaphore, #tpu.memory_space<semaphore_mem>>)
      %dma_wait3A_139 = tpu.memref_slice %arg2[%add3A_63] : memref<5120xi32, #tpu.memory_space<hbm>> -> memref<16xi32, #tpu.memory_space<hbm>>
      %dma_wait3A_140 = tpu.memref_slice %arg2[%add3A_63] : memref<5120xi32, #tpu.memory_space<hbm>> -> memref<16xi32, #tpu.memory_space<hbm>>
      tpu.wait_dma2 semaphore(%run_scoped3A : memref<!tpu.dma_semaphore, #tpu.memory_space<semaphore_mem>>) src(%dma_wait3A_140 : memref<16xi32, #tpu.memory_space<hbm>>) dst(%arg6 : memref<16xi32, #tpu.memory_space<vmem>>)
      tpu.yield
    }) : () -> ()
    %dma_start3A_64 = arith.constant 0 : i32
    %dma_start3A_65 = arith.constant 0 : i32
    %dma_start3A_66 = tpu.memref_slice %arg3[%dma_start3A_64, %dma_start3A_65] : memref<2048x2176xf32, #tpu.memory_space<hbm>> -> memref<2048x2176xf32, #tpu.memory_space<hbm>>
    tpu.enqueue_indirect_dma source(%dma_start3A_66 : memref<2048x2176xf32, #tpu.memory_space<hbm>>) target(%arg8 : memref<16x2176xf32, #tpu.memory_space<vmem>>) offsets(%arg6 : memref<16xi32, #tpu.memory_space<vmem>>) semaphore(%arg10 : memref<!tpu.dma_semaphore, #tpu.memory_space<semaphore_mem>>)
    %dma_wait3A_67 = arith.constant 0 : i32
    %dma_wait3A_68 = arith.constant 0 : i32
    %dma_wait3A_69 = tpu.memref_slice %arg3[%dma_wait3A_67, %dma_wait3A_68] : memref<2048x2176xf32, #tpu.memory_space<hbm>> -> memref<2048x2176xf32, #tpu.memory_space<hbm>>
    tpu.wait_indirect_dma semaphore(%arg9 : memref<!tpu.dma_semaphore, #tpu.memory_space<semaphore_mem>>) src(%dma_wait3A_69 : memref<2048x2176xf32, #tpu.memory_space<hbm>>) dst(%arg7 : memref<16x2176xf32, #tpu.memory_space<vmem>>)
    %mul3A_70 = arith.constant 160 : i32
    %mul3A_71 = arith.muli %add3A, %mul3A_70 : i32
    %add3A_72 = arith.constant 64 : i32
    %add3A_73 = arith.addi %mul3A_71, %add3A_72 : i32
    "tpu.region"() ({
      %run_scoped3A = tpu.sem_alloc : memref<!tpu.dma_semaphore, #tpu.memory_space<semaphore_mem>>
      %dma_start3A_137 = arith.constant 0 : i32
      %dma_start3A_138 = tpu.memref_slice %arg4[%add3A_73, %dma_start3A_137] : memref<5120x2176xf32, #tpu.memory_space<hbm>> -> memref<16x2176xf32, #tpu.memory_space<hbm>>
      %dma_start3A_139 = arith.constant 0 : i32
      %dma_start3A_140 = tpu.memref_slice %arg4[%add3A_73, %dma_start3A_139] : memref<5120x2176xf32, #tpu.memory_space<hbm>> -> memref<16x2176xf32, #tpu.memory_space<hbm>>
      tpu.enqueue_dma source(%arg7 : memref<16x2176xf32, #tpu.memory_space<vmem>>) target(%dma_start3A_140 : memref<16x2176xf32, #tpu.memory_space<hbm>>) target_semaphore(%run_scoped3A : memref<!tpu.dma_semaphore, #tpu.memory_space<semaphore_mem>>)
      %dma_wait3A_141 = arith.constant 0 : i32
      %dma_wait3A_142 = tpu.memref_slice %arg4[%add3A_73, %dma_wait3A_141] : memref<5120x2176xf32, #tpu.memory_space<hbm>> -> memref<16x2176xf32, #tpu.memory_space<hbm>>
      %dma_wait3A_143 = arith.constant 0 : i32
      %dma_wait3A_144 = tpu.memref_slice %arg4[%add3A_73, %dma_wait3A_143] : memref<5120x2176xf32, #tpu.memory_space<hbm>> -> memref<16x2176xf32, #tpu.memory_space<hbm>>
      tpu.wait_dma2 semaphore(%run_scoped3A : memref<!tpu.dma_semaphore, #tpu.memory_space<semaphore_mem>>) src(%arg7 : memref<16x2176xf32, #tpu.memory_space<vmem>>) dst(%dma_wait3A_144 : memref<16x2176xf32, #tpu.memory_space<hbm>>)
      tpu.yield
    }) : () -> ()
    %mul3A_74 = arith.constant 160 : i32
    %mul3A_75 = arith.muli %add3A, %mul3A_74 : i32
    %add3A_76 = arith.constant 96 : i32
    %add3A_77 = arith.addi %mul3A_75, %add3A_76 : i32
    "tpu.region"() ({
      %run_scoped3A = tpu.sem_alloc : memref<!tpu.dma_semaphore, #tpu.memory_space<semaphore_mem>>
      %dma_start3A_137 = tpu.memref_slice %arg2[%add3A_77] : memref<5120xi32, #tpu.memory_space<hbm>> -> memref<16xi32, #tpu.memory_space<hbm>>
      %dma_start3A_138 = tpu.memref_slice %arg2[%add3A_77] : memref<5120xi32, #tpu.memory_space<hbm>> -> memref<16xi32, #tpu.memory_space<hbm>>
      tpu.enqueue_dma source(%dma_start3A_138 : memref<16xi32, #tpu.memory_space<hbm>>) target(%arg5 : memref<16xi32, #tpu.memory_space<vmem>>) target_semaphore(%run_scoped3A : memref<!tpu.dma_semaphore, #tpu.memory_space<semaphore_mem>>)
      %dma_wait3A_139 = tpu.memref_slice %arg2[%add3A_77] : memref<5120xi32, #tpu.memory_space<hbm>> -> memref<16xi32, #tpu.memory_space<hbm>>
      %dma_wait3A_140 = tpu.memref_slice %arg2[%add3A_77] : memref<5120xi32, #tpu.memory_space<hbm>> -> memref<16xi32, #tpu.memory_space<hbm>>
      tpu.wait_dma2 semaphore(%run_scoped3A : memref<!tpu.dma_semaphore, #tpu.memory_space<semaphore_mem>>) src(%dma_wait3A_140 : memref<16xi32, #tpu.memory_space<hbm>>) dst(%arg5 : memref<16xi32, #tpu.memory_space<vmem>>)
      tpu.yield
    }) : () -> ()
    %dma_start3A_78 = arith.constant 0 : i32
    %dma_start3A_79 = arith.constant 0 : i32
    %dma_start3A_80 = tpu.memref_slice %arg3[%dma_start3A_78, %dma_start3A_79] : memref<2048x2176xf32, #tpu.memory_space<hbm>> -> memref<2048x2176xf32, #tpu.memory_space<hbm>>
    tpu.enqueue_indirect_dma source(%dma_start3A_80 : memref<2048x2176xf32, #tpu.memory_space<hbm>>) target(%arg7 : memref<16x2176xf32, #tpu.memory_space<vmem>>) offsets(%arg5 : memref<16xi32, #tpu.memory_space<vmem>>) semaphore(%arg9 : memref<!tpu.dma_semaphore, #tpu.memory_space<semaphore_mem>>)
    %dma_wait3A_81 = arith.constant 0 : i32
    %dma_wait3A_82 = arith.constant 0 : i32
    %dma_wait3A_83 = tpu.memref_slice %arg3[%dma_wait3A_81, %dma_wait3A_82] : memref<2048x2176xf32, #tpu.memory_space<hbm>> -> memref<2048x2176xf32, #tpu.memory_space<hbm>>
    tpu.wait_indirect_dma semaphore(%arg10 : memref<!tpu.dma_semaphore, #tpu.memory_space<semaphore_mem>>) src(%dma_wait3A_83 : memref<2048x2176xf32, #tpu.memory_space<hbm>>) dst(%arg8 : memref<16x2176xf32, #tpu.memory_space<vmem>>)
    %mul3A_84 = arith.constant 160 : i32
    %mul3A_85 = arith.muli %add3A, %mul3A_84 : i32
    %add3A_86 = arith.constant 80 : i32
    %add3A_87 = arith.addi %mul3A_85, %add3A_86 : i32
    "tpu.region"() ({
      %run_scoped3A = tpu.sem_alloc : memref<!tpu.dma_semaphore, #tpu.memory_space<semaphore_mem>>
      %dma_start3A_137 = arith.constant 0 : i32
      %dma_start3A_138 = tpu.memref_slice %arg4[%add3A_87, %dma_start3A_137] : memref<5120x2176xf32, #tpu.memory_space<hbm>> -> memref<16x2176xf32, #tpu.memory_space<hbm>>
      %dma_start3A_139 = arith.constant 0 : i32
      %dma_start3A_140 = tpu.memref_slice %arg4[%add3A_87, %dma_start3A_139] : memref<5120x2176xf32, #tpu.memory_space<hbm>> -> memref<16x2176xf32, #tpu.memory_space<hbm>>
      tpu.enqueue_dma source(%arg8 : memref<16x2176xf32, #tpu.memory_space<vmem>>) target(%dma_start3A_140 : memref<16x2176xf32, #tpu.memory_space<hbm>>) target_semaphore(%run_scoped3A : memref<!tpu.dma_semaphore, #tpu.memory_space<semaphore_mem>>)
      %dma_wait3A_141 = arith.constant 0 : i32
      %dma_wait3A_142 = tpu.memref_slice %arg4[%add3A_87, %dma_wait3A_141] : memref<5120x2176xf32, #tpu.memory_space<hbm>> -> memref<16x2176xf32, #tpu.memory_space<hbm>>
      %dma_wait3A_143 = arith.constant 0 : i32
      %dma_wait3A_144 = tpu.memref_slice %arg4[%add3A_87, %dma_wait3A_143] : memref<5120x2176xf32, #tpu.memory_space<hbm>> -> memref<16x2176xf32, #tpu.memory_space<hbm>>
      tpu.wait_dma2 semaphore(%run_scoped3A : memref<!tpu.dma_semaphore, #tpu.memory_space<semaphore_mem>>) src(%arg8 : memref<16x2176xf32, #tpu.memory_space<vmem>>) dst(%dma_wait3A_144 : memref<16x2176xf32, #tpu.memory_space<hbm>>)
      tpu.yield
    }) : () -> ()
    %mul3A_88 = arith.constant 160 : i32
    %mul3A_89 = arith.muli %add3A, %mul3A_88 : i32
    %add3A_90 = arith.constant 112 : i32
    %add3A_91 = arith.addi %mul3A_89, %add3A_90 : i32
    "tpu.region"() ({
      %run_scoped3A = tpu.sem_alloc : memref<!tpu.dma_semaphore, #tpu.memory_space<semaphore_mem>>
      %dma_start3A_137 = tpu.memref_slice %arg2[%add3A_91] : memref<5120xi32, #tpu.memory_space<hbm>> -> memref<16xi32, #tpu.memory_space<hbm>>
      %dma_start3A_138 = tpu.memref_slice %arg2[%add3A_91] : memref<5120xi32, #tpu.memory_space<hbm>> -> memref<16xi32, #tpu.memory_space<hbm>>
      tpu.enqueue_dma source(%dma_start3A_138 : memref<16xi32, #tpu.memory_space<hbm>>) target(%arg6 : memref<16xi32, #tpu.memory_space<vmem>>) target_semaphore(%run_scoped3A : memref<!tpu.dma_semaphore, #tpu.memory_space<semaphore_mem>>)
      %dma_wait3A_139 = tpu.memref_slice %arg2[%add3A_91] : memref<5120xi32, #tpu.memory_space<hbm>> -> memref<16xi32, #tpu.memory_space<hbm>>
      %dma_wait3A_140 = tpu.memref_slice %arg2[%add3A_91] : memref<5120xi32, #tpu.memory_space<hbm>> -> memref<16xi32, #tpu.memory_space<hbm>>
      tpu.wait_dma2 semaphore(%run_scoped3A : memref<!tpu.dma_semaphore, #tpu.memory_space<semaphore_mem>>) src(%dma_wait3A_140 : memref<16xi32, #tpu.memory_space<hbm>>) dst(%arg6 : memref<16xi32, #tpu.memory_space<vmem>>)
      tpu.yield
    }) : () -> ()
    %dma_start3A_92 = arith.constant 0 : i32
    %dma_start3A_93 = arith.constant 0 : i32
    %dma_start3A_94 = tpu.memref_slice %arg3[%dma_start3A_92, %dma_start3A_93] : memref<2048x2176xf32, #tpu.memory_space<hbm>> -> memref<2048x2176xf32, #tpu.memory_space<hbm>>
    tpu.enqueue_indirect_dma source(%dma_start3A_94 : memref<2048x2176xf32, #tpu.memory_space<hbm>>) target(%arg8 : memref<16x2176xf32, #tpu.memory_space<vmem>>) offsets(%arg6 : memref<16xi32, #tpu.memory_space<vmem>>) semaphore(%arg10 : memref<!tpu.dma_semaphore, #tpu.memory_space<semaphore_mem>>)
    %dma_wait3A_95 = arith.constant 0 : i32
    %dma_wait3A_96 = arith.constant 0 : i32
    %dma_wait3A_97 = tpu.memref_slice %arg3[%dma_wait3A_95, %dma_wait3A_96] : memref<2048x2176xf32, #tpu.memory_space<hbm>> -> memref<2048x2176xf32, #tpu.memory_space<hbm>>
    tpu.wait_indirect_dma semaphore(%arg9 : memref<!tpu.dma_semaphore, #tpu.memory_space<semaphore_mem>>) src(%dma_wait3A_97 : memref<2048x2176xf32, #tpu.memory_space<hbm>>) dst(%arg7 : memref<16x2176xf32, #tpu.memory_space<vmem>>)
    %mul3A_98 = arith.constant 160 : i32
    %mul3A_99 = arith.muli %add3A, %mul3A_98 : i32
    %add3A_100 = arith.constant 96 : i32
    %add3A_101 = arith.addi %mul3A_99, %add3A_100 : i32
    "tpu.region"() ({
      %run_scoped3A = tpu.sem_alloc : memref<!tpu.dma_semaphore, #tpu.memory_space<semaphore_mem>>
      %dma_start3A_137 = arith.constant 0 : i32
      %dma_start3A_138 = tpu.memref_slice %arg4[%add3A_101, %dma_start3A_137] : memref<5120x2176xf32, #tpu.memory_space<hbm>> -> memref<16x2176xf32, #tpu.memory_space<hbm>>
      %dma_start3A_139 = arith.constant 0 : i32
      %dma_start3A_140 = tpu.memref_slice %arg4[%add3A_101, %dma_start3A_139] : memref<5120x2176xf32, #tpu.memory_space<hbm>> -> memref<16x2176xf32, #tpu.memory_space<hbm>>
      tpu.enqueue_dma source(%arg7 : memref<16x2176xf32, #tpu.memory_space<vmem>>) target(%dma_start3A_140 : memref<16x2176xf32, #tpu.memory_space<hbm>>) target_semaphore(%run_scoped3A : memref<!tpu.dma_semaphore, #tpu.memory_space<semaphore_mem>>)
      %dma_wait3A_141 = arith.constant 0 : i32
      %dma_wait3A_142 = tpu.memref_slice %arg4[%add3A_101, %dma_wait3A_141] : memref<5120x2176xf32, #tpu.memory_space<hbm>> -> memref<16x2176xf32, #tpu.memory_space<hbm>>
      %dma_wait3A_143 = arith.constant 0 : i32
      %dma_wait3A_144 = tpu.memref_slice %arg4[%add3A_101, %dma_wait3A_143] : memref<5120x2176xf32, #tpu.memory_space<hbm>> -> memref<16x2176xf32, #tpu.memory_space<hbm>>
      tpu.wait_dma2 semaphore(%run_scoped3A : memref<!tpu.dma_semaphore, #tpu.memory_space<semaphore_mem>>) src(%arg7 : memref<16x2176xf32, #tpu.memory_space<vmem>>) dst(%dma_wait3A_144 : memref<16x2176xf32, #tpu.memory_space<hbm>>)
      tpu.yield
    }) : () -> ()
    %mul3A_102 = arith.constant 160 : i32
    %mul3A_103 = arith.muli %add3A, %mul3A_102 : i32
    %add3A_104 = arith.constant 128 : i32
    %add3A_105 = arith.addi %mul3A_103, %add3A_104 : i32
    "tpu.region"() ({
      %run_scoped3A = tpu.sem_alloc : memref<!tpu.dma_semaphore, #tpu.memory_space<semaphore_mem>>
      %dma_start3A_137 = tpu.memref_slice %arg2[%add3A_105] : memref<5120xi32, #tpu.memory_space<hbm>> -> memref<16xi32, #tpu.memory_space<hbm>>
      %dma_start3A_138 = tpu.memref_slice %arg2[%add3A_105] : memref<5120xi32, #tpu.memory_space<hbm>> -> memref<16xi32, #tpu.memory_space<hbm>>
      tpu.enqueue_dma source(%dma_start3A_138 : memref<16xi32, #tpu.memory_space<hbm>>) target(%arg5 : memref<16xi32, #tpu.memory_space<vmem>>) target_semaphore(%run_scoped3A : memref<!tpu.dma_semaphore, #tpu.memory_space<semaphore_mem>>)
      %dma_wait3A_139 = tpu.memref_slice %arg2[%add3A_105] : memref<5120xi32, #tpu.memory_space<hbm>> -> memref<16xi32, #tpu.memory_space<hbm>>
      %dma_wait3A_140 = tpu.memref_slice %arg2[%add3A_105] : memref<5120xi32, #tpu.memory_space<hbm>> -> memref<16xi32, #tpu.memory_space<hbm>>
      tpu.wait_dma2 semaphore(%run_scoped3A : memref<!tpu.dma_semaphore, #tpu.memory_space<semaphore_mem>>) src(%dma_wait3A_140 : memref<16xi32, #tpu.memory_space<hbm>>) dst(%arg5 : memref<16xi32, #tpu.memory_space<vmem>>)
      tpu.yield
    }) : () -> ()
    %dma_start3A_106 = arith.constant 0 : i32
    %dma_start3A_107 = arith.constant 0 : i32
    %dma_start3A_108 = tpu.memref_slice %arg3[%dma_start3A_106, %dma_start3A_107] : memref<2048x2176xf32, #tpu.memory_space<hbm>> -> memref<2048x2176xf32, #tpu.memory_space<hbm>>
    tpu.enqueue_indirect_dma source(%dma_start3A_108 : memref<2048x2176xf32, #tpu.memory_space<hbm>>) target(%arg7 : memref<16x2176xf32, #tpu.memory_space<vmem>>) offsets(%arg5 : memref<16xi32, #tpu.memory_space<vmem>>) semaphore(%arg9 : memref<!tpu.dma_semaphore, #tpu.memory_space<semaphore_mem>>)
    %dma_wait3A_109 = arith.constant 0 : i32
    %dma_wait3A_110 = arith.constant 0 : i32
    %dma_wait3A_111 = tpu.memref_slice %arg3[%dma_wait3A_109, %dma_wait3A_110] : memref<2048x2176xf32, #tpu.memory_space<hbm>> -> memref<2048x2176xf32, #tpu.memory_space<hbm>>
    tpu.wait_indirect_dma semaphore(%arg10 : memref<!tpu.dma_semaphore, #tpu.memory_space<semaphore_mem>>) src(%dma_wait3A_111 : memref<2048x2176xf32, #tpu.memory_space<hbm>>) dst(%arg8 : memref<16x2176xf32, #tpu.memory_space<vmem>>)
    %mul3A_112 = arith.constant 160 : i32
    %mul3A_113 = arith.muli %add3A, %mul3A_112 : i32
    %add3A_114 = arith.constant 112 : i32
    %add3A_115 = arith.addi %mul3A_113, %add3A_114 : i32
    "tpu.region"() ({
      %run_scoped3A = tpu.sem_alloc : memref<!tpu.dma_semaphore, #tpu.memory_space<semaphore_mem>>
      %dma_start3A_137 = arith.constant 0 : i32
      %dma_start3A_138 = tpu.memref_slice %arg4[%add3A_115, %dma_start3A_137] : memref<5120x2176xf32, #tpu.memory_space<hbm>> -> memref<16x2176xf32, #tpu.memory_space<hbm>>
      %dma_start3A_139 = arith.constant 0 : i32
      %dma_start3A_140 = tpu.memref_slice %arg4[%add3A_115, %dma_start3A_139] : memref<5120x2176xf32, #tpu.memory_space<hbm>> -> memref<16x2176xf32, #tpu.memory_space<hbm>>
      tpu.enqueue_dma source(%arg8 : memref<16x2176xf32, #tpu.memory_space<vmem>>) target(%dma_start3A_140 : memref<16x2176xf32, #tpu.memory_space<hbm>>) target_semaphore(%run_scoped3A : memref<!tpu.dma_semaphore, #tpu.memory_space<semaphore_mem>>)
      %dma_wait3A_141 = arith.constant 0 : i32
      %dma_wait3A_142 = tpu.memref_slice %arg4[%add3A_115, %dma_wait3A_141] : memref<5120x2176xf32, #tpu.memory_space<hbm>> -> memref<16x2176xf32, #tpu.memory_space<hbm>>
      %dma_wait3A_143 = arith.constant 0 : i32
      %dma_wait3A_144 = tpu.memref_slice %arg4[%add3A_115, %dma_wait3A_143] : memref<5120x2176xf32, #tpu.memory_space<hbm>> -> memref<16x2176xf32, #tpu.memory_space<hbm>>
      tpu.wait_dma2 semaphore(%run_scoped3A : memref<!tpu.dma_semaphore, #tpu.memory_space<semaphore_mem>>) src(%arg8 : memref<16x2176xf32, #tpu.memory_space<vmem>>) dst(%dma_wait3A_144 : memref<16x2176xf32, #tpu.memory_space<hbm>>)
      tpu.yield
    }) : () -> ()
    %mul3A_116 = arith.constant 160 : i32
    %mul3A_117 = arith.muli %add3A, %mul3A_116 : i32
    %add3A_118 = arith.constant 144 : i32
    %add3A_119 = arith.addi %mul3A_117, %add3A_118 : i32
    "tpu.region"() ({
      %run_scoped3A = tpu.sem_alloc : memref<!tpu.dma_semaphore, #tpu.memory_space<semaphore_mem>>
      %dma_start3A_137 = tpu.memref_slice %arg2[%add3A_119] : memref<5120xi32, #tpu.memory_space<hbm>> -> memref<16xi32, #tpu.memory_space<hbm>>
      %dma_start3A_138 = tpu.memref_slice %arg2[%add3A_119] : memref<5120xi32, #tpu.memory_space<hbm>> -> memref<16xi32, #tpu.memory_space<hbm>>
      tpu.enqueue_dma source(%dma_start3A_138 : memref<16xi32, #tpu.memory_space<hbm>>) target(%arg6 : memref<16xi32, #tpu.memory_space<vmem>>) target_semaphore(%run_scoped3A : memref<!tpu.dma_semaphore, #tpu.memory_space<semaphore_mem>>)
      %dma_wait3A_139 = tpu.memref_slice %arg2[%add3A_119] : memref<5120xi32, #tpu.memory_space<hbm>> -> memref<16xi32, #tpu.memory_space<hbm>>
      %dma_wait3A_140 = tpu.memref_slice %arg2[%add3A_119] : memref<5120xi32, #tpu.memory_space<hbm>> -> memref<16xi32, #tpu.memory_space<hbm>>
      tpu.wait_dma2 semaphore(%run_scoped3A : memref<!tpu.dma_semaphore, #tpu.memory_space<semaphore_mem>>) src(%dma_wait3A_140 : memref<16xi32, #tpu.memory_space<hbm>>) dst(%arg6 : memref<16xi32, #tpu.memory_space<vmem>>)
      tpu.yield
    }) : () -> ()
    %dma_start3A_120 = arith.constant 0 : i32
    %dma_start3A_121 = arith.constant 0 : i32
    %dma_start3A_122 = tpu.memref_slice %arg3[%dma_start3A_120, %dma_start3A_121] : memref<2048x2176xf32, #tpu.memory_space<hbm>> -> memref<2048x2176xf32, #tpu.memory_space<hbm>>
    tpu.enqueue_indirect_dma source(%dma_start3A_122 : memref<2048x2176xf32, #tpu.memory_space<hbm>>) target(%arg8 : memref<16x2176xf32, #tpu.memory_space<vmem>>) offsets(%arg6 : memref<16xi32, #tpu.memory_space<vmem>>) semaphore(%arg10 : memref<!tpu.dma_semaphore, #tpu.memory_space<semaphore_mem>>)
    %dma_wait3A_123 = arith.constant 0 : i32
    %dma_wait3A_124 = arith.constant 0 : i32
    %dma_wait3A_125 = tpu.memref_slice %arg3[%dma_wait3A_123, %dma_wait3A_124] : memref<2048x2176xf32, #tpu.memory_space<hbm>> -> memref<2048x2176xf32, #tpu.memory_space<hbm>>
    tpu.wait_indirect_dma semaphore(%arg9 : memref<!tpu.dma_semaphore, #tpu.memory_space<semaphore_mem>>) src(%dma_wait3A_125 : memref<2048x2176xf32, #tpu.memory_space<hbm>>) dst(%arg7 : memref<16x2176xf32, #tpu.memory_space<vmem>>)
    %mul3A_126 = arith.constant 160 : i32
    %mul3A_127 = arith.muli %add3A, %mul3A_126 : i32
    %add3A_128 = arith.constant 128 : i32
    %add3A_129 = arith.addi %mul3A_127, %add3A_128 : i32
    "tpu.region"() ({
      %run_scoped3A = tpu.sem_alloc : memref<!tpu.dma_semaphore, #tpu.memory_space<semaphore_mem>>
      %dma_start3A_137 = arith.constant 0 : i32
      %dma_start3A_138 = tpu.memref_slice %arg4[%add3A_129, %dma_start3A_137] : memref<5120x2176xf32, #tpu.memory_space<hbm>> -> memref<16x2176xf32, #tpu.memory_space<hbm>>
      %dma_start3A_139 = arith.constant 0 : i32
      %dma_start3A_140 = tpu.memref_slice %arg4[%add3A_129, %dma_start3A_139] : memref<5120x2176xf32, #tpu.memory_space<hbm>> -> memref<16x2176xf32, #tpu.memory_space<hbm>>
      tpu.enqueue_dma source(%arg7 : memref<16x2176xf32, #tpu.memory_space<vmem>>) target(%dma_start3A_140 : memref<16x2176xf32, #tpu.memory_space<hbm>>) target_semaphore(%run_scoped3A : memref<!tpu.dma_semaphore, #tpu.memory_space<semaphore_mem>>)
      %dma_wait3A_141 = arith.constant 0 : i32
      %dma_wait3A_142 = tpu.memref_slice %arg4[%add3A_129, %dma_wait3A_141] : memref<5120x2176xf32, #tpu.memory_space<hbm>> -> memref<16x2176xf32, #tpu.memory_space<hbm>>
      %dma_wait3A_143 = arith.constant 0 : i32
      %dma_wait3A_144 = tpu.memref_slice %arg4[%add3A_129, %dma_wait3A_143] : memref<5120x2176xf32, #tpu.memory_space<hbm>> -> memref<16x2176xf32, #tpu.memory_space<hbm>>
      tpu.wait_dma2 semaphore(%run_scoped3A : memref<!tpu.dma_semaphore, #tpu.memory_space<semaphore_mem>>) src(%arg7 : memref<16x2176xf32, #tpu.memory_space<vmem>>) dst(%dma_wait3A_144 : memref<16x2176xf32, #tpu.memory_space<hbm>>)
      tpu.yield
    }) : () -> ()
    %dma_wait3A_130 = arith.constant 0 : i32
    %dma_wait3A_131 = arith.constant 0 : i32
    %dma_wait3A_132 = tpu.memref_slice %arg3[%dma_wait3A_130, %dma_wait3A_131] : memref<2048x2176xf32, #tpu.memory_space<hbm>> -> memref<2048x2176xf32, #tpu.memory_space<hbm>>
    tpu.wait_indirect_dma semaphore(%arg10 : memref<!tpu.dma_semaphore, #tpu.memory_space<semaphore_mem>>) src(%dma_wait3A_132 : memref<2048x2176xf32, #tpu.memory_space<hbm>>) dst(%arg8 : memref<16x2176xf32, #tpu.memory_space<vmem>>)
    %mul3A_133 = arith.constant 160 : i32
    %mul3A_134 = arith.muli %add3A, %mul3A_133 : i32
    %add3A_135 = arith.constant 144 : i32
    %add3A_136 = arith.addi %mul3A_134, %add3A_135 : i32
    "tpu.region"() ({
      %run_scoped3A = tpu.sem_alloc : memref<!tpu.dma_semaphore, #tpu.memory_space<semaphore_mem>>
      %dma_start3A_137 = arith.constant 0 : i32
      %dma_start3A_138 = tpu.memref_slice %arg4[%add3A_136, %dma_start3A_137] : memref<5120x2176xf32, #tpu.memory_space<hbm>> -> memref<16x2176xf32, #tpu.memory_space<hbm>>
      %dma_start3A_139 = arith.constant 0 : i32
      %dma_start3A_140 = tpu.memref_slice %arg4[%add3A_136, %dma_start3A_139] : memref<5120x2176xf32, #tpu.memory_space<hbm>> -> memref<16x2176xf32, #tpu.memory_space<hbm>>
      tpu.enqueue_dma source(%arg8 : memref<16x2176xf32, #tpu.memory_space<vmem>>) target(%dma_start3A_140 : memref<16x2176xf32, #tpu.memory_space<hbm>>) target_semaphore(%run_scoped3A : memref<!tpu.dma_semaphore, #tpu.memory_space<semaphore_mem>>)
      %dma_wait3A_141 = arith.constant 0 : i32
      %dma_wait3A_142 = tpu.memref_slice %arg4[%add3A_136, %dma_wait3A_141] : memref<5120x2176xf32, #tpu.memory_space<hbm>> -> memref<16x2176xf32, #tpu.memory_space<hbm>>
      %dma_wait3A_143 = arith.constant 0 : i32
      %dma_wait3A_144 = tpu.memref_slice %arg4[%add3A_136, %dma_wait3A_143] : memref<5120x2176xf32, #tpu.memory_space<hbm>> -> memref<16x2176xf32, #tpu.memory_space<hbm>>
      tpu.wait_dma2 semaphore(%run_scoped3A : memref<!tpu.dma_semaphore, #tpu.memory_space<semaphore_mem>>) src(%arg8 : memref<16x2176xf32, #tpu.memory_space<vmem>>) dst(%dma_wait3A_144 : memref<16x2176xf32, #tpu.memory_space<hbm>>)
      tpu.yield
    }) : () -> ()
    return
  }
}

module attributes {stable_mosaic.version = 14 : i64} {
  func.func @_invert_body(%arg0: i32, %arg1: memref<2048x1xf32, #tpu.memory_space<vmem>>, %arg2: memref<2048x1xf32, #tpu.memory_space<vmem>>, %arg3: memref<2048x1xf32, #tpu.memory_space<vmem>>, %arg4: memref<2048x1xf32, #tpu.memory_space<vmem>>, %arg5: memref<1x1x1024xi32, #tpu.memory_space<vmem>>, %arg6: memref<1x1x1024xf32, #tpu.memory_space<vmem>>) attributes {dimension_semantics = [#tpu.dimension_semantics<arbitrary>], iteration_bounds = array<i64: 5>, scalar_prefetch = 0 : i64, scratch_operands = 0 : i64, tpu.core_type = #tpu.core_type<tc>, window_params = [{pipeline_mode = #tpu.pipeline_mode<synchronous>, transform_indices = @transform_0, window_bounds = array<i64: 2048, 1>}, {pipeline_mode = #tpu.pipeline_mode<synchronous>, transform_indices = @transform_1, window_bounds = array<i64: 2048, 1>}, {pipeline_mode = #tpu.pipeline_mode<synchronous>, transform_indices = @transform_2, window_bounds = array<i64: 2048, 1>}, {pipeline_mode = #tpu.pipeline_mode<synchronous>, transform_indices = @transform_3, window_bounds = array<i64: 2048, 1>}, {transform_indices = @transform_4, window_bounds = array<i64: 1, 1, 1024>}, {transform_indices = @transform_5, window_bounds = array<i64: 1, 1, 1024>}]} {
    %mul3A = arith.constant 1024 : i32
    %mul3A_0 = arith.muli %arg0, %mul3A : i32
    %convert_element_type3A = arith.sitofp %mul3A_0 : i32 to f32
    %iota3A = tpu.iota {dimensions = array<i32: 1>} : vector<2048x1024xi32>
    %convert_element_type3A_1 = arith.sitofp %iota3A : vector<2048x1024xi32> to vector<2048x1024xf32>
    %add3A = vector.broadcast %convert_element_type3A : f32 to vector<2048x1024xf32>
    %add3A_2 = arith.addf %convert_element_type3A_1, %add3A : vector<2048x1024xf32>
    %get3A = arith.constant 0 : index
    %get3A_3 = arith.constant 0 : index
    %get3A_4 = vector.load %arg1[%get3A, %get3A_3] : memref<2048x1xf32, #tpu.memory_space<vmem>>, vector<2048x1xf32>
    %eq3A = vector.broadcast %get3A_4 : vector<2048x1xf32> to vector<2048x1024xf32>
    %eq3A_5 = arith.cmpf oeq, %eq3A, %add3A_2 : vector<2048x1024xf32>
    %convert_element_type3A_6 = arith.extui %eq3A_5 : vector<2048x1024xi1> to vector<2048x1024xi32>
    %convert_element_type3A_7 = arith.sitofp %convert_element_type3A_6 : vector<2048x1024xi32> to vector<2048x1024xf32>
    %get3A_8 = arith.constant 0 : index
    %get3A_9 = arith.constant 0 : index
    %get3A_10 = vector.load %arg2[%get3A_8, %get3A_9] : memref<2048x1xf32, #tpu.memory_space<vmem>>, vector<2048x1xf32>
    %eq3A_11 = vector.broadcast %get3A_10 : vector<2048x1xf32> to vector<2048x1024xf32>
    %eq3A_12 = arith.cmpf oeq, %eq3A_11, %add3A_2 : vector<2048x1024xf32>
    %convert_element_type3A_13 = arith.extui %eq3A_12 : vector<2048x1024xi1> to vector<2048x1024xi32>
    %convert_element_type3A_14 = arith.sitofp %convert_element_type3A_13 : vector<2048x1024xi32> to vector<2048x1024xf32>
    %iota3A_15 = tpu.iota {dimensions = array<i32: 0>} : vector<2048x1xi32>
    %convert_element_type3A_16 = arith.sitofp %iota3A_15 : vector<2048x1xi32> to vector<2048x1xf32>
    %add3A_17 = arith.addf %convert_element_type3A_7, %convert_element_type3A_14 : vector<2048x1024xf32>
    %mul3A_18 = vector.broadcast %convert_element_type3A_16 : vector<2048x1xf32> to vector<2048x1024xf32>
    %mul3A_19 = arith.mulf %add3A_17, %mul3A_18 : vector<2048x1024xf32>
    %reduce_sum3A = arith.constant dense<0.000000e+00> : vector<1024xf32>
    %reduce_sum3A_20 = vector.multi_reduction <add>, %mul3A_19, %reduce_sum3A [0] : vector<2048x1024xf32> to vector<1024xf32>
    %broadcast_in_dim3A = vector.shape_cast %reduce_sum3A_20 : vector<1024xf32> to vector<1x1024xf32>
    %get3A_21 = arith.constant 0 : index
    %get3A_22 = arith.constant 0 : index
    %get3A_23 = vector.load %arg3[%get3A_21, %get3A_22] : memref<2048x1xf32, #tpu.memory_space<vmem>>, vector<2048x1xf32>
    %mul3A_24 = vector.broadcast %get3A_23 : vector<2048x1xf32> to vector<2048x1024xf32>
    %mul3A_25 = arith.mulf %convert_element_type3A_7, %mul3A_24 : vector<2048x1024xf32>
    %get3A_26 = arith.constant 0 : index
    %get3A_27 = arith.constant 0 : index
    %get3A_28 = vector.load %arg4[%get3A_26, %get3A_27] : memref<2048x1xf32, #tpu.memory_space<vmem>>, vector<2048x1xf32>
    %mul3A_29 = vector.broadcast %get3A_28 : vector<2048x1xf32> to vector<2048x1024xf32>
    %mul3A_30 = arith.mulf %convert_element_type3A_14, %mul3A_29 : vector<2048x1024xf32>
    %add3A_31 = arith.addf %mul3A_25, %mul3A_30 : vector<2048x1024xf32>
    %reduce_sum3A_32 = arith.constant dense<0.000000e+00> : vector<1024xf32>
    %reduce_sum3A_33 = vector.multi_reduction <add>, %add3A_31, %reduce_sum3A_32 [0] : vector<2048x1024xf32> to vector<1024xf32>
    %broadcast_in_dim3A_34 = vector.shape_cast %reduce_sum3A_33 : vector<1024xf32> to vector<1x1024xf32>
    %convert_element_type3A_35 = arith.fptosi %broadcast_in_dim3A : vector<1x1024xf32> to vector<1x1024xi32>
    %reshape3A = vector.shape_cast %convert_element_type3A_35 : vector<1x1024xi32> to vector<1x1x1024xi32>
    %swap3A = arith.constant 0 : index
    %swap3A_36 = arith.constant 0 : index
    %swap3A_37 = arith.constant 0 : index
    %swap3A_38 = vector.load %arg5[%swap3A, %swap3A_36, %swap3A_37] : memref<1x1x1024xi32, #tpu.memory_space<vmem>>, vector<1x1x1024xi32>
    tpu.vector_store %arg5[%swap3A, %swap3A_36, %swap3A_37], %reshape3A {strides = array<i32>} : memref<1x1x1024xi32, #tpu.memory_space<vmem>>, vector<1x1x1024xi32>,
    %reshape3A_39 = vector.shape_cast %broadcast_in_dim3A_34 : vector<1x1024xf32> to vector<1x1x1024xf32>
    %swap3A_40 = arith.constant 0 : index
    %swap3A_41 = arith.constant 0 : index
    %swap3A_42 = arith.constant 0 : index
    %swap3A_43 = vector.load %arg6[%swap3A_40, %swap3A_41, %swap3A_42] : memref<1x1x1024xf32, #tpu.memory_space<vmem>>, vector<1x1x1024xf32>
    tpu.vector_store %arg6[%swap3A_40, %swap3A_41, %swap3A_42], %reshape3A_39 {strides = array<i32>} : memref<1x1x1024xf32, #tpu.memory_space<vmem>>, vector<1x1x1024xf32>,
    return
  }
  func.func @transform_0(%arg0: i32) -> (i32, i32) {
    %c0_i32 = arith.constant 0 : i32
    %c0_i32_0 = arith.constant 0 : i32
    %c0_i32_1 = arith.constant 0 : i32
    return %c0_i32, %c0_i32_0 : i32, i32
  }
  func.func @transform_1(%arg0: i32) -> (i32, i32) {
    %c0_i32 = arith.constant 0 : i32
    %c0_i32_0 = arith.constant 0 : i32
    %c0_i32_1 = arith.constant 0 : i32
    return %c0_i32, %c0_i32_0 : i32, i32
  }
  func.func @transform_2(%arg0: i32) -> (i32, i32) {
    %c0_i32 = arith.constant 0 : i32
    %c0_i32_0 = arith.constant 0 : i32
    %c0_i32_1 = arith.constant 0 : i32
    return %c0_i32, %c0_i32_0 : i32, i32
  }
  func.func @transform_3(%arg0: i32) -> (i32, i32) {
    %c0_i32 = arith.constant 0 : i32
    %c0_i32_0 = arith.constant 0 : i32
    %c0_i32_1 = arith.constant 0 : i32
    return %c0_i32, %c0_i32_0 : i32, i32
  }
  func.func @transform_4(%arg0: i32) -> (i32, i32, i32) {
    %c0_i32 = arith.constant 0 : i32
    %c0_i32_0 = arith.constant 0 : i32
    %c0_i32_1 = arith.constant 0 : i32
    return %arg0, %c0_i32, %c0_i32_0 : i32, i32, i32
  }
  func.func @transform_5(%arg0: i32) -> (i32, i32, i32) {
    %c0_i32 = arith.constant 0 : i32
    %c0_i32_0 = arith.constant 0 : i32
    %c0_i32_1 = arith.constant 0 : i32
    return %arg0, %c0_i32, %c0_i32_0 : i32, i32, i32
  }
}

module attributes {stable_mosaic.version = 14 : i64} {
  func.func @_gate_body(%arg0: memref<2048x2176xf32, #tpu.memory_space<vmem>>, %arg1: memref<2176x16xf32, #tpu.memory_space<vmem>>, %arg2: memref<16xf32, #tpu.memory_space<vmem>>, %arg3: memref<16x8xf32, #tpu.memory_space<vmem>>, %arg4: memref<8xf32, #tpu.memory_space<vmem>>, %arg5: memref<2048x1xi32, #tpu.memory_space<vmem>>, %arg6: memref<2048x1xi32, #tpu.memory_space<vmem>>, %arg7: memref<2048x1xf32, #tpu.memory_space<vmem>>, %arg8: memref<2048x1xf32, #tpu.memory_space<vmem>>, %arg9: memref<1x48xi32, #tpu.memory_space<vmem>>, %arg10: memref<1x48xi32, #tpu.memory_space<vmem>>) attributes {dimension_semantics = [], scalar_prefetch = 0 : i64, scratch_operands = 0 : i64, tpu.core_type = #tpu.core_type<tc>} {
    %get3A = arith.constant 0 : index
    %get3A_0 = arith.constant 0 : index
    %get3A_1 = vector.load %arg0[%get3A, %get3A_0] : memref<2048x2176xf32, #tpu.memory_space<vmem>>, vector<2048x2176xf32>
    %get3A_2 = arith.constant 0 : index
    %get3A_3 = arith.constant 0 : index
    %get3A_4 = vector.load %arg1[%get3A_2, %get3A_3] : memref<2176x16xf32, #tpu.memory_space<vmem>>, vector<2176x16xf32>
    %dot_general3A = arith.constant dense<0.000000e+00> : vector<2048x16xf32>
    %dot_general3A_5 = tpu.matmul %get3A_1, %get3A_4, %dot_general3A {dimension_numbers = #tpu.dot_dimension_numbers<[1], [0], [0], [1], [0, 0, 1, 1], [], []>, transpose_lhs_hint = false} : vector<2048x2176xf32>, vector<2176x16xf32>, vector<2048x16xf32> -> vector<2048x16xf32>
    %get3A_6 = arith.constant 0 : index
    %get3A_7 = vector.load %arg2[%get3A_6] : memref<16xf32, #tpu.memory_space<vmem>>, vector<16xf32>
    %broadcast_in_dim3A = vector.shape_cast %get3A_7 : vector<16xf32> to vector<1x16xf32>
    %add3A = vector.broadcast %broadcast_in_dim3A : vector<1x16xf32> to vector<2048x16xf32>
    %add3A_8 = arith.addf %dot_general3A_5, %add3A : vector<2048x16xf32>
    %max3A = arith.constant 0.000000e+00 : f32
    %max3A_9 = vector.broadcast %max3A : f32 to vector<2048x16xf32>
    %max3A_10 = arith.maximumf %add3A_8, %max3A_9 : vector<2048x16xf32>
    %get3A_11 = arith.constant 0 : index
    %get3A_12 = arith.constant 0 : index
    %get3A_13 = vector.load %arg3[%get3A_11, %get3A_12] : memref<16x8xf32, #tpu.memory_space<vmem>>, vector<16x8xf32>
    %dot_general3A_14 = arith.constant dense<0.000000e+00> : vector<2048x8xf32>
    %dot_general3A_15 = tpu.matmul %max3A_10, %get3A_13, %dot_general3A_14 {dimension_numbers = #tpu.dot_dimension_numbers<[1], [0], [0], [1], [0, 0, 1, 1], [], []>, transpose_lhs_hint = false} : vector<2048x16xf32>, vector<16x8xf32>, vector<2048x8xf32> -> vector<2048x8xf32>
    %get3A_16 = arith.constant 0 : index
    %get3A_17 = vector.load %arg4[%get3A_16] : memref<8xf32, #tpu.memory_space<vmem>>, vector<8xf32>
    %broadcast_in_dim3A_18 = vector.shape_cast %get3A_17 : vector<8xf32> to vector<1x8xf32>
    %add3A_19 = vector.broadcast %broadcast_in_dim3A_18 : vector<1x8xf32> to vector<2048x8xf32>
    %add3A_20 = arith.addf %dot_general3A_15, %add3A_19 : vector<2048x8xf32>
    %iota3A = tpu.iota {dimensions = array<i32: 1>} : vector<2048x8xi32>
    %reduce_max3A = arith.constant dense<0xFF800000> : vector<2048xf32>
    %reduce_max3A_21 = vector.multi_reduction <maximumf>, %add3A_20, %reduce_max3A [1] : vector<2048x8xf32> to vector<2048xf32>
    %broadcast_in_dim3A_22 = vector.shape_cast %reduce_max3A_21 : vector<2048xf32> to vector<2048x1xf32>
    %eq3A = vector.broadcast %broadcast_in_dim3A_22 : vector<2048x1xf32> to vector<2048x8xf32>
    %eq3A_23 = arith.cmpf oeq, %add3A_20, %eq3A : vector<2048x8xf32>
    %jit3A = arith.constant 8 : i32
    %broadcast_in_dim3A_24 = vector.broadcast %jit3A : i32 to vector<2048x8xi32>
    %select_n3A = arith.select %eq3A_23, %iota3A, %broadcast_in_dim3A_24 : vector<2048x8xi1>, vector<2048x8xi32>
    %reduce_min3A = arith.constant dense<2147483647> : vector<2048xi32>
    %reduce_min3A_25 = vector.multi_reduction <minsi>, %select_n3A, %reduce_min3A [1] : vector<2048x8xi32> to vector<2048xi32>
    %broadcast_in_dim3A_26 = vector.shape_cast %reduce_min3A_25 : vector<2048xi32> to vector<2048x1xi32>
    %eq3A_27 = vector.broadcast %broadcast_in_dim3A_26 : vector<2048x1xi32> to vector<2048x8xi32>
    %eq3A_28 = arith.cmpi eq, %iota3A, %eq3A_27 : vector<2048x8xi32>
    %jit3A_29 = arith.constant 0xFF800000 : f32
    %broadcast_in_dim3A_30 = vector.broadcast %jit3A_29 : f32 to vector<2048x8xf32>
    %select_n3A_31 = arith.select %eq3A_28, %broadcast_in_dim3A_30, %add3A_20 : vector<2048x8xi1>, vector<2048x8xf32>
    %reduce_max3A_32 = arith.constant dense<0xFF800000> : vector<2048xf32>
    %reduce_max3A_33 = vector.multi_reduction <maximumf>, %select_n3A_31, %reduce_max3A_32 [1] : vector<2048x8xf32> to vector<2048xf32>
    %broadcast_in_dim3A_34 = vector.shape_cast %reduce_max3A_33 : vector<2048xf32> to vector<2048x1xf32>
    %eq3A_35 = vector.broadcast %broadcast_in_dim3A_34 : vector<2048x1xf32> to vector<2048x8xf32>
    %eq3A_36 = arith.cmpf oeq, %select_n3A_31, %eq3A_35 : vector<2048x8xf32>
    %jit3A_37 = arith.constant 8 : i32
    %broadcast_in_dim3A_38 = vector.broadcast %jit3A_37 : i32 to vector<2048x8xi32>
    %select_n3A_39 = arith.select %eq3A_36, %iota3A, %broadcast_in_dim3A_38 : vector<2048x8xi1>, vector<2048x8xi32>
    %reduce_min3A_40 = arith.constant dense<2147483647> : vector<2048xi32>
    %reduce_min3A_41 = vector.multi_reduction <minsi>, %select_n3A_39, %reduce_min3A_40 [1] : vector<2048x8xi32> to vector<2048xi32>
    %broadcast_in_dim3A_42 = vector.shape_cast %reduce_min3A_41 : vector<2048xi32> to vector<2048x1xi32>
    %sub3A = arith.subf %broadcast_in_dim3A_22, %broadcast_in_dim3A_34 : vector<2048x1xf32>
    %exp3A = math.exp %sub3A : vector<2048x1xf32>
    %add3A_43 = arith.constant 1.000000e+00 : f32
    %add3A_44 = vector.broadcast %add3A_43 : f32 to vector<2048x1xf32>
    %add3A_45 = arith.addf %add3A_44, %exp3A : vector<2048x1xf32>
    %div3A = arith.constant 1.000000e+00 : f32
    %div3A_46 = vector.broadcast %div3A : f32 to vector<2048x1xf32>
    %div3A_47 = arith.divf %div3A_46, %add3A_45 : vector<2048x1xf32>
    %sub3A_48 = arith.constant 1.000000e+00 : f32
    %sub3A_49 = vector.broadcast %sub3A_48 : f32 to vector<2048x1xf32>
    %sub3A_50 = arith.subf %sub3A_49, %div3A_47 : vector<2048x1xf32>
    %swap3A = arith.constant 0 : index
    %swap3A_51 = arith.constant 0 : index
    %swap3A_52 = vector.load %arg7[%swap3A, %swap3A_51] : memref<2048x1xf32, #tpu.memory_space<vmem>>, vector<2048x1xf32>
    tpu.vector_store %arg7[%swap3A, %swap3A_51], %sub3A_50 {strides = array<i32>} : memref<2048x1xf32, #tpu.memory_space<vmem>>, vector<2048x1xf32>,
    %swap3A_53 = arith.constant 0 : index
    %swap3A_54 = arith.constant 0 : index
    %swap3A_55 = vector.load %arg8[%swap3A_53, %swap3A_54] : memref<2048x1xf32, #tpu.memory_space<vmem>>, vector<2048x1xf32>
    tpu.vector_store %arg8[%swap3A_53, %swap3A_54], %div3A_47 {strides = array<i32>} : memref<2048x1xf32, #tpu.memory_space<vmem>>, vector<2048x1xf32>,
    %eq3A_56 = vector.broadcast %broadcast_in_dim3A_26 : vector<2048x1xi32> to vector<2048x8xi32>
    %eq3A_57 = arith.cmpi eq, %iota3A, %eq3A_56 : vector<2048x8xi32>
    %convert_element_type3A = arith.extui %eq3A_57 : vector<2048x8xi1> to vector<2048x8xi32>
    %convert_element_type3A_58 = arith.sitofp %convert_element_type3A : vector<2048x8xi32> to vector<2048x8xf32>
    %eq3A_59 = vector.broadcast %broadcast_in_dim3A_42 : vector<2048x1xi32> to vector<2048x8xi32>
    %eq3A_60 = arith.cmpi eq, %iota3A, %eq3A_59 : vector<2048x8xi32>
    %convert_element_type3A_61 = arith.extui %eq3A_60 : vector<2048x8xi1> to vector<2048x8xi32>
    %convert_element_type3A_62 = arith.sitofp %convert_element_type3A_61 : vector<2048x8xi32> to vector<2048x8xf32>
    %add3A_63 = arith.addf %convert_element_type3A_58, %convert_element_type3A_62 : vector<2048x8xf32>
    %iota3A_64 = tpu.iota {dimensions = array<i32: 0>} : vector<2048x2048xi32>
    %iota3A_65 = tpu.iota {dimensions = array<i32: 1>} : vector<2048x2048xi32>
    %lt3A = arith.cmpi slt, %iota3A_65, %iota3A_64 : vector<2048x2048xi32>
    %convert_element_type3A_66 = arith.extui %lt3A : vector<2048x2048xi1> to vector<2048x2048xi32>
    %convert_element_type3A_67 = arith.sitofp %convert_element_type3A_66 : vector<2048x2048xi32> to vector<2048x2048xf32>
    %dot_general3A_68 = arith.constant dense<0.000000e+00> : vector<2048x8xf32>
    %dot_general3A_69 = tpu.matmul %convert_element_type3A_67, %add3A_63, %dot_general3A_68 {dimension_numbers = #tpu.dot_dimension_numbers<[1], [0], [0], [1], [0, 0, 1, 1], [], []>, transpose_lhs_hint = false} : vector<2048x2048xf32>, vector<2048x8xf32>, vector<2048x8xf32> -> vector<2048x8xf32>
    %reduce_sum3A = arith.constant dense<0.000000e+00> : vector<8xf32>
    %reduce_sum3A_70 = vector.multi_reduction <add>, %add3A_63, %reduce_sum3A [0] : vector<2048x8xf32> to vector<8xf32>
    %broadcast_in_dim3A_71 = vector.shape_cast %reduce_sum3A_70 : vector<8xf32> to vector<1x8xf32>
    %div3A_72 = arith.constant 1.280000e+02 : f32
    %div3A_73 = vector.broadcast %div3A_72 : f32 to vector<1x8xf32>
    %div3A_74 = arith.divf %broadcast_in_dim3A_71, %div3A_73 : vector<1x8xf32>
    %ceil3A = math.ceil %div3A_74 : vector<1x8xf32>
    %mul3A = arith.constant 1.280000e+02 : f32
    %mul3A_75 = vector.broadcast %mul3A : f32 to vector<1x8xf32>
    %mul3A_76 = arith.mulf %ceil3A, %mul3A_75 : vector<1x8xf32>
    %iota3A_77 = tpu.iota {dimensions = array<i32: 0>} : vector<8x8xi32>
    %iota3A_78 = tpu.iota {dimensions = array<i32: 1>} : vector<8x8xi32>
    %lt3A_79 = arith.cmpi slt, %iota3A_77, %iota3A_78 : vector<8x8xi32>
    %convert_element_type3A_80 = arith.extui %lt3A_79 : vector<8x8xi1> to vector<8x8xi32>
    %convert_element_type3A_81 = arith.sitofp %convert_element_type3A_80 : vector<8x8xi32> to vector<8x8xf32>
    %dot_general3A_82 = arith.constant dense<0.000000e+00> : vector<1x8xf32>
    %dot_general3A_83 = tpu.matmul %mul3A_76, %convert_element_type3A_81, %dot_general3A_82 {dimension_numbers = #tpu.dot_dimension_numbers<[1], [0], [0], [1], [0, 0, 1, 1], [], []>, transpose_lhs_hint = false} : vector<1x8xf32>, vector<8x8xf32>, vector<1x8xf32> -> vector<1x8xf32>
    %add3A_84 = vector.broadcast %dot_general3A_83 : vector<1x8xf32> to vector<2048x8xf32>
    %add3A_85 = arith.addf %add3A_84, %dot_general3A_69 : vector<2048x8xf32>
    %mul3A_86 = arith.mulf %convert_element_type3A_58, %add3A_85 : vector<2048x8xf32>
    %reduce_sum3A_87 = arith.constant dense<0.000000e+00> : vector<2048xf32>
    %reduce_sum3A_88 = vector.multi_reduction <add>, %mul3A_86, %reduce_sum3A_87 [1] : vector<2048x8xf32> to vector<2048xf32>
    %broadcast_in_dim3A_89 = vector.shape_cast %reduce_sum3A_88 : vector<2048xf32> to vector<2048x1xf32>
    %add3A_90 = vector.broadcast %dot_general3A_83 : vector<1x8xf32> to vector<2048x8xf32>
    %add3A_91 = arith.addf %add3A_90, %dot_general3A_69 : vector<2048x8xf32>
    %add3A_92 = arith.addf %add3A_91, %convert_element_type3A_58 : vector<2048x8xf32>
    %mul3A_93 = arith.mulf %convert_element_type3A_62, %add3A_92 : vector<2048x8xf32>
    %reduce_sum3A_94 = arith.constant dense<0.000000e+00> : vector<2048xf32>
    %reduce_sum3A_95 = vector.multi_reduction <add>, %mul3A_93, %reduce_sum3A_94 [1] : vector<2048x8xf32> to vector<2048xf32>
    %broadcast_in_dim3A_96 = vector.shape_cast %reduce_sum3A_95 : vector<2048xf32> to vector<2048x1xf32>
    %convert_element_type3A_97 = arith.fptosi %broadcast_in_dim3A_89 : vector<2048x1xf32> to vector<2048x1xi32>
    %swap3A_98 = arith.constant 0 : index
    %swap3A_99 = arith.constant 0 : index
    %swap3A_100 = vector.load %arg5[%swap3A_98, %swap3A_99] : memref<2048x1xi32, #tpu.memory_space<vmem>>, vector<2048x1xi32>
    tpu.vector_store %arg5[%swap3A_98, %swap3A_99], %convert_element_type3A_97 {strides = array<i32>} : memref<2048x1xi32, #tpu.memory_space<vmem>>, vector<2048x1xi32>,
    %convert_element_type3A_101 = arith.fptosi %broadcast_in_dim3A_96 : vector<2048x1xf32> to vector<2048x1xi32>
    %swap3A_102 = arith.constant 0 : index
    %swap3A_103 = arith.constant 0 : index
    %swap3A_104 = vector.load %arg6[%swap3A_102, %swap3A_103] : memref<2048x1xi32, #tpu.memory_space<vmem>>, vector<2048x1xi32>
    tpu.vector_store %arg6[%swap3A_102, %swap3A_103], %convert_element_type3A_101 {strides = array<i32>} : memref<2048x1xi32, #tpu.memory_space<vmem>>, vector<2048x1xi32>,
    %div3A_105 = arith.constant 1.280000e+02 : f32
    %div3A_106 = vector.broadcast %div3A_105 : f32 to vector<1x8xf32>
    %div3A_107 = arith.divf %dot_general3A_83, %div3A_106 : vector<1x8xf32>
    %reshape3A = vector.shape_cast %div3A_107 : vector<1x8xf32> to vector<8x1xf32>
    %div3A_108 = arith.constant 1.280000e+02 : f32
    %div3A_109 = vector.broadcast %div3A_108 : f32 to vector<1x8xf32>
    %div3A_110 = arith.divf %mul3A_76, %div3A_109 : vector<1x8xf32>
    %reshape3A_111 = vector.shape_cast %div3A_110 : vector<1x8xf32> to vector<8x1xf32>
    %div3A_112 = arith.constant 1.280000e+02 : f32
    %div3A_113 = vector.broadcast %div3A_112 : f32 to vector<1x8xf32>
    %div3A_114 = arith.divf %mul3A_76, %div3A_113 : vector<1x8xf32>
    %reduce_sum3A_115 = vector.shape_cast %div3A_114 : vector<1x8xf32> to vector<1x1x8xf32>
    %reduce_sum3A_116 = arith.constant dense<0.000000e+00> : vector<1xf32>
    %reduce_sum3A_117 = vector.multi_reduction <add>, %reduce_sum3A_115, %reduce_sum3A_116 [1, 2] : vector<1x1x8xf32> to vector<1xf32>
    %reduce_sum3A_118 = vector.shape_cast %reduce_sum3A_117 : vector<1xf32> to vector<1x1x1xf32>
    %reduce_sum3A_119 = vector.extract %reduce_sum3A_118[0, 0, 0] : f32 from vector<1x1x1xf32>
    %iota3A_120 = tpu.iota {dimensions = array<i32: 1>} : vector<8x48xi32>
    %convert_element_type3A_121 = arith.sitofp %iota3A_120 : vector<8x48xi32> to vector<8x48xf32>
    %iota3A_122 = tpu.iota {dimensions = array<i32: 0>} : vector<8x48xi32>
    %convert_element_type3A_123 = arith.sitofp %iota3A_122 : vector<8x48xi32> to vector<8x48xf32>
    %ge3A = vector.broadcast %reshape3A : vector<8x1xf32> to vector<8x48xf32>
    %ge3A_124 = arith.cmpf oge, %convert_element_type3A_121, %ge3A : vector<8x48xf32>
    %gt3A = arith.constant 0.000000e+00 : f32
    %gt3A_125 = vector.broadcast %gt3A : f32 to vector<8x1xf32>
    %gt3A_126 = arith.cmpf ogt, %reshape3A_111, %gt3A_125 : vector<8x1xf32>
    %and3A = vector.broadcast %gt3A_126 : vector<8x1xi1> to vector<8x48xi1>
    %and3A_127 = arith.andi %ge3A_124, %and3A : vector<8x48xi1>
    %jit3A_128 = arith.constant 0.000000e+00 : f32
    %broadcast_in_dim3A_129 = vector.broadcast %jit3A_128 : f32 to vector<8x48xf32>
    %select_n3A_130 = arith.select %and3A_127, %convert_element_type3A_123, %broadcast_in_dim3A_129 : vector<8x48xi1>, vector<8x48xf32>
    %reduce_max3A_131 = arith.constant dense<0xFF800000> : vector<48xf32>
    %reduce_max3A_132 = vector.multi_reduction <maximumf>, %select_n3A_130, %reduce_max3A_131 [0] : vector<8x48xf32> to vector<48xf32>
    %broadcast_in_dim3A_133 = vector.shape_cast %reduce_max3A_132 : vector<48xf32> to vector<1x48xf32>
    %convert_element_type3A_134 = arith.fptosi %broadcast_in_dim3A_133 : vector<1x48xf32> to vector<1x48xi32>
    %swap3A_135 = arith.constant 0 : index
    %swap3A_136 = arith.constant 0 : index
    %swap3A_137 = vector.load %arg9[%swap3A_135, %swap3A_136] : memref<1x48xi32, #tpu.memory_space<vmem>>, vector<1x48xi32>
    tpu.vector_store %arg9[%swap3A_135, %swap3A_136], %convert_element_type3A_134 {strides = array<i32>} : memref<1x48xi32, #tpu.memory_space<vmem>>, vector<1x48xi32>,
    %iota3A_138 = tpu.iota {dimensions = array<i32: 1>} : vector<1x48xi32>
    %convert_element_type3A_139 = arith.sitofp %iota3A_138 : vector<1x48xi32> to vector<1x48xf32>
    %lt3A_140 = vector.broadcast %reduce_sum3A_119 : f32 to vector<1x48xf32>
    %lt3A_141 = arith.cmpf olt, %convert_element_type3A_139, %lt3A_140 : vector<1x48xf32>
    %jit3A_142 = arith.constant 1 : i32
    %jit3A_143 = arith.constant 0 : i32
    %broadcast_in_dim3A_144 = vector.broadcast %jit3A_142 : i32 to vector<1x48xi32>
    %broadcast_in_dim3A_145 = vector.broadcast %jit3A_143 : i32 to vector<1x48xi32>
    %select_n3A_146 = arith.select %lt3A_141, %broadcast_in_dim3A_144, %broadcast_in_dim3A_145 : vector<1x48xi1>, vector<1x48xi32>
    %swap3A_147 = arith.constant 0 : index
    %swap3A_148 = arith.constant 0 : index
    %swap3A_149 = vector.load %arg10[%swap3A_147, %swap3A_148] : memref<1x48xi32, #tpu.memory_space<vmem>>, vector<1x48xi32>
    tpu.vector_store %arg10[%swap3A_147, %swap3A_148], %select_n3A_146 {strides = array<i32>} : memref<1x48xi32, #tpu.memory_space<vmem>>, vector<1x48xi32>,
    return
  }
}

module attributes {stable_mosaic.version = 14 : i64} {
  func.func @_add_body(%arg0: i32, %arg1: memref<256x1024xf32, #tpu.memory_space<vmem>>, %arg2: memref<256x1024xf32, #tpu.memory_space<vmem>>, %arg3: memref<256x1024xf32, #tpu.memory_space<vmem>>) attributes {dimension_semantics = [#tpu.dimension_semantics<arbitrary>], iteration_bounds = array<i64: 8>, scalar_prefetch = 0 : i64, scratch_operands = 0 : i64, tpu.core_type = #tpu.core_type<tc>, window_params = [{transform_indices = @transform_0, window_bounds = array<i64: 256, 1024>}, {transform_indices = @transform_1, window_bounds = array<i64: 256, 1024>}, {transform_indices = @transform_2, window_bounds = array<i64: 256, 1024>}]} {
    %get3A = arith.constant 0 : index
    %get3A_0 = arith.constant 0 : index
    %get3A_1 = vector.load %arg1[%get3A, %get3A_0] : memref<256x1024xf32, #tpu.memory_space<vmem>>, vector<256x1024xf32>
    %get3A_2 = arith.constant 0 : index
    %get3A_3 = arith.constant 0 : index
    %get3A_4 = vector.load %arg2[%get3A_2, %get3A_3] : memref<256x1024xf32, #tpu.memory_space<vmem>>, vector<256x1024xf32>
    %add3A = arith.addf %get3A_1, %get3A_4 : vector<256x1024xf32>
    %swap3A = arith.constant 0 : index
    %swap3A_5 = arith.constant 0 : index
    %swap3A_6 = vector.load %arg3[%swap3A, %swap3A_5] : memref<256x1024xf32, #tpu.memory_space<vmem>>, vector<256x1024xf32>
    tpu.vector_store %arg3[%swap3A, %swap3A_5], %add3A {strides = array<i32>} : memref<256x1024xf32, #tpu.memory_space<vmem>>, vector<256x1024xf32>,
    return
  }
  func.func @transform_0(%arg0: i32) -> (i32, i32) {
    %c0_i32 = arith.constant 0 : i32
    %c0_i32_0 = arith.constant 0 : i32
    return %arg0, %c0_i32 : i32, i32
  }
  func.func @transform_1(%arg0: i32) -> (i32, i32) {
    %c0_i32 = arith.constant 0 : i32
    %c0_i32_0 = arith.constant 0 : i32
    return %arg0, %c0_i32 : i32, i32
  }
  func.func @transform_2(%arg0: i32) -> (i32, i32) {
    %c0_i32 = arith.constant 0 : i32
    %c0_i32_0 = arith.constant 0 : i32
    return %arg0, %c0_i32 : i32, i32
  }
}

module attributes {stable_mosaic.version = 14 : i64} {
  func.func @_mlp_body(%arg0: i32, %arg1: memref<48xi32, #tpu.memory_space<smem>>, %arg2: memref<48xi32, #tpu.memory_space<smem>>, %arg3: memref<128x2176xf32, #tpu.memory_space<vmem>>, %arg4: memref<1x2176x2048xf32, #tpu.memory_space<vmem>>, %arg5: memref<1x1x2048xf32, #tpu.memory_space<vmem>>, %arg6: memref<1x2048x1024xf32, #tpu.memory_space<vmem>>, %arg7: memref<1x1x1024xf32, #tpu.memory_space<vmem>>, %arg8: memref<1x128x1xf32, #tpu.memory_space<vmem>>, %arg9: memref<128x1024xf32, #tpu.memory_space<vmem>>) attributes {dimension_semantics = [#tpu.dimension_semantics<arbitrary>], iteration_bounds = array<i64: 40>, scalar_prefetch = 2 : i64, scratch_operands = 0 : i64, tpu.core_type = #tpu.core_type<tc>, window_params = [{transform_indices = @transform_0, window_bounds = array<i64: 128, 2176>}, {transform_indices = @transform_1, window_bounds = array<i64: 1, 2176, 2048>}, {transform_indices = @transform_2, window_bounds = array<i64: 1, 1, 2048>}, {transform_indices = @transform_3, window_bounds = array<i64: 1, 2048, 1024>}, {transform_indices = @transform_4, window_bounds = array<i64: 1, 1, 1024>}, {transform_indices = @transform_5, window_bounds = array<i64: 1, 128, 1>}, {transform_indices = @transform_6, window_bounds = array<i64: 128, 1024>}]} {
    %get3A = arith.index_cast %arg0 : i32 to index
    %get3A_0 = memref.load %arg2[%get3A] : memref<48xi32, #tpu.memory_space<smem>>
    %eq3A = arith.constant 1 : i32
    %eq3A_1 = arith.cmpi eq, %get3A_0, %eq3A : i32
    %convert_element_type3A = arith.extui %eq3A_1 : i1 to i32
    %cond3A = arith.constant 0 : i32
    %cond3A_2 = arith.cmpi ne, %convert_element_type3A, %cond3A : i32
    scf.if %cond3A_2 {
      %get3A_3 = arith.constant 0 : index
      %get3A_4 = arith.constant 0 : index
      %get3A_5 = vector.load %arg3[%get3A_3, %get3A_4] : memref<128x2176xf32, #tpu.memory_space<vmem>>, vector<128x2176xf32>
      %get3A_6 = arith.constant 0 : index
      %get3A_7 = arith.constant 0 : index
      %get3A_8 = arith.constant 0 : index
      %get3A_9 = vector.load %arg4[%get3A_6, %get3A_7, %get3A_8] : memref<1x2176x2048xf32, #tpu.memory_space<vmem>>, vector<1x2176x2048xf32>
      %get3A_10 = vector.shape_cast %get3A_9 : vector<1x2176x2048xf32> to vector<2176x2048xf32>
      %dot_general3A = arith.constant dense<0.000000e+00> : vector<128x2048xf32>
      %dot_general3A_11 = tpu.matmul %get3A_5, %get3A_10, %dot_general3A {dimension_numbers = #tpu.dot_dimension_numbers<[1], [0], [0], [1], [0, 0, 1, 1], [], []>, transpose_lhs_hint = false} : vector<128x2176xf32>, vector<2176x2048xf32>, vector<128x2048xf32> -> vector<128x2048xf32>
      %get3A_12 = arith.constant 0 : index
      %get3A_13 = arith.constant 0 : index
      %get3A_14 = arith.constant 0 : index
      %get3A_15 = vector.load %arg5[%get3A_12, %get3A_13, %get3A_14] : memref<1x1x2048xf32, #tpu.memory_space<vmem>>, vector<1x1x2048xf32>
      %get3A_16 = vector.shape_cast %get3A_15 : vector<1x1x2048xf32> to vector<1x2048xf32>
      %add3A = vector.broadcast %get3A_16 : vector<1x2048xf32> to vector<128x2048xf32>
      %add3A_17 = arith.addf %dot_general3A_11, %add3A : vector<128x2048xf32>
      %max3A = arith.constant 0.000000e+00 : f32
      %max3A_18 = vector.broadcast %max3A : f32 to vector<128x2048xf32>
      %max3A_19 = arith.maximumf %add3A_17, %max3A_18 : vector<128x2048xf32>
      %get3A_20 = arith.constant 0 : index
      %get3A_21 = arith.constant 0 : index
      %get3A_22 = arith.constant 0 : index
      %get3A_23 = vector.load %arg6[%get3A_20, %get3A_21, %get3A_22] : memref<1x2048x1024xf32, #tpu.memory_space<vmem>>, vector<1x2048x1024xf32>
      %get3A_24 = vector.shape_cast %get3A_23 : vector<1x2048x1024xf32> to vector<2048x1024xf32>
      %dot_general3A_25 = arith.constant dense<0.000000e+00> : vector<128x1024xf32>
      %dot_general3A_26 = tpu.matmul %max3A_19, %get3A_24, %dot_general3A_25 {dimension_numbers = #tpu.dot_dimension_numbers<[1], [0], [0], [1], [0, 0, 1, 1], [], []>, transpose_lhs_hint = false} : vector<128x2048xf32>, vector<2048x1024xf32>, vector<128x1024xf32> -> vector<128x1024xf32>
      %get3A_27 = arith.constant 0 : index
      %get3A_28 = arith.constant 0 : index
      %get3A_29 = arith.constant 0 : index
      %get3A_30 = vector.load %arg7[%get3A_27, %get3A_28, %get3A_29] : memref<1x1x1024xf32, #tpu.memory_space<vmem>>, vector<1x1x1024xf32>
      %get3A_31 = vector.shape_cast %get3A_30 : vector<1x1x1024xf32> to vector<1x1024xf32>
      %add3A_32 = vector.broadcast %get3A_31 : vector<1x1024xf32> to vector<128x1024xf32>
      %add3A_33 = arith.addf %dot_general3A_26, %add3A_32 : vector<128x1024xf32>
      %get3A_34 = arith.constant 0 : index
      %get3A_35 = arith.constant 0 : index
      %get3A_36 = arith.constant 0 : index
      %get3A_37 = vector.load %arg8[%get3A_34, %get3A_35, %get3A_36] : memref<1x128x1xf32, #tpu.memory_space<vmem>>, vector<1x128x1xf32>
      %get3A_38 = vector.shape_cast %get3A_37 : vector<1x128x1xf32> to vector<128x1xf32>
      %mul3A = vector.broadcast %get3A_38 : vector<128x1xf32> to vector<128x1024xf32>
      %mul3A_39 = arith.mulf %add3A_33, %mul3A : vector<128x1024xf32>
      %swap3A = arith.constant 0 : index
      %swap3A_40 = arith.constant 0 : index
      %swap3A_41 = vector.load %arg9[%swap3A, %swap3A_40] : memref<128x1024xf32, #tpu.memory_space<vmem>>, vector<128x1024xf32>
      tpu.vector_store %arg9[%swap3A, %swap3A_40], %mul3A_39 {strides = array<i32>} : memref<128x1024xf32, #tpu.memory_space<vmem>>, vector<128x1024xf32>,
    } else {
    }
    return
  }
  func.func @transform_0(%arg0: i32, %arg1: memref<48xi32, #tpu.memory_space<smem>>, %arg2: memref<48xi32, #tpu.memory_space<smem>>) -> (i32, i32) {
    %get3A = arith.index_cast %arg0 : i32 to index
    %get3A_0 = memref.load %arg2[%get3A] : memref<48xi32, #tpu.memory_space<smem>>
    %eq3A = arith.constant 1 : i32
    %eq3A_1 = arith.cmpi eq, %get3A_0, %eq3A : i32
    %jit3A = arith.constant 0 : i32
    %select_n3A = arith.select %eq3A_1, %arg0, %jit3A : i32
    %c0_i32 = arith.constant 0 : i32
    %c0_i32_2 = arith.constant 0 : i32
    return %select_n3A, %c0_i32 : i32, i32
  }
  func.func @transform_1(%arg0: i32, %arg1: memref<48xi32, #tpu.memory_space<smem>>, %arg2: memref<48xi32, #tpu.memory_space<smem>>) -> (i32, i32, i32) {
    %get3A = arith.index_cast %arg0 : i32 to index
    %get3A_0 = memref.load %arg1[%get3A] : memref<48xi32, #tpu.memory_space<smem>>
    %c0_i32 = arith.constant 0 : i32
    %c0_i32_1 = arith.constant 0 : i32
    %c0_i32_2 = arith.constant 0 : i32
    return %get3A_0, %c0_i32, %c0_i32_1 : i32, i32, i32
  }
  func.func @transform_2(%arg0: i32, %arg1: memref<48xi32, #tpu.memory_space<smem>>, %arg2: memref<48xi32, #tpu.memory_space<smem>>) -> (i32, i32, i32) {
    %get3A = arith.index_cast %arg0 : i32 to index
    %get3A_0 = memref.load %arg1[%get3A] : memref<48xi32, #tpu.memory_space<smem>>
    %c0_i32 = arith.constant 0 : i32
    %c0_i32_1 = arith.constant 0 : i32
    %c0_i32_2 = arith.constant 0 : i32
    return %get3A_0, %c0_i32, %c0_i32_1 : i32, i32, i32
  }
  func.func @transform_3(%arg0: i32, %arg1: memref<48xi32, #tpu.memory_space<smem>>, %arg2: memref<48xi32, #tpu.memory_space<smem>>) -> (i32, i32, i32) {
    %get3A = arith.index_cast %arg0 : i32 to index
    %get3A_0 = memref.load %arg1[%get3A] : memref<48xi32, #tpu.memory_space<smem>>
    %c0_i32 = arith.constant 0 : i32
    %c0_i32_1 = arith.constant 0 : i32
    %c0_i32_2 = arith.constant 0 : i32
    return %get3A_0, %c0_i32, %c0_i32_1 : i32, i32, i32
  }
  func.func @transform_4(%arg0: i32, %arg1: memref<48xi32, #tpu.memory_space<smem>>, %arg2: memref<48xi32, #tpu.memory_space<smem>>) -> (i32, i32, i32) {
    %get3A = arith.index_cast %arg0 : i32 to index
    %get3A_0 = memref.load %arg1[%get3A] : memref<48xi32, #tpu.memory_space<smem>>
    %c0_i32 = arith.constant 0 : i32
    %c0_i32_1 = arith.constant 0 : i32
    %c0_i32_2 = arith.constant 0 : i32
    return %get3A_0, %c0_i32, %c0_i32_1 : i32, i32, i32
  }
  func.func @transform_5(%arg0: i32, %arg1: memref<48xi32, #tpu.memory_space<smem>>, %arg2: memref<48xi32, #tpu.memory_space<smem>>) -> (i32, i32, i32) {
    %c0_i32 = arith.constant 0 : i32
    %c0_i32_0 = arith.constant 0 : i32
    %c0_i32_1 = arith.constant 0 : i32
    return %arg0, %c0_i32, %c0_i32_0 : i32, i32, i32
  }
  func.func @transform_6(%arg0: i32, %arg1: memref<48xi32, #tpu.memory_space<smem>>, %arg2: memref<48xi32, #tpu.memory_space<smem>>) -> (i32, i32) {
    %c0_i32 = arith.constant 0 : i32
    %c0_i32_0 = arith.constant 0 : i32
    return %arg0, %c0_i32 : i32, i32
  }
}

</mosaic_0001>

<sc_bundles>
// kernel: kernel.11.cloned.1.call-start
scs
__scs_entry_jumppad:
0x0: {  	(pc) =	sbr.rel $0x88, $3  }
0x1: {  	(tag) =	ssettag $0x0;
	lr =	simm.s32 $0x1  }
0x2: {  	[smem:$0x3F97] =	sst lr;
	_ =	strace $0xD0000000  }
0x3: {  	_ = 	snop  }
0x4: {  	_ = 	snop  }
0x5: {  	_ = 	snop  }
0x6: {  	_ = 	snop  }
0x7: {  	_ = 	snop  }
__scs_overlays_trampoline_lowered:
0x8: {  	[smem:$0x3FA6] =	sst s0  }
0x9: {  	[smem:$0x3FA7] =	sst s1  }
0xa: {  	[smem:$0x3FA8] =	sst s2  }
0xb: {  	[smem:$0x3FA9] =	sst s3  }
0xc: {  	[smem:$0x3FAA] =	sst s4  }
0xd: {  	[smem:$0x3FAB] =	sst s5  }
0xe: {  	[smem:$0x3FAC] =	sst s6  }
0xf: {  	[smem:$0x3FAD] =	sst s7  }
0x10: {  	[smem:$0x3FAE] =	sst s8  }
0x11: {  	[smem:$0x3FAF] =	sst s9;
	s0 =	simm.s32 @!p0 $0x0  }
0x12: {  	s1 =	sld [smem:$0x3F95];
	s0 =	simm.s32 @p0 $0x1  }
0x13: {  	[smem:$0x3FB0] =	sst s0;
	s0 =	simm.s32 @!p1 $0x0  }
0x14: {  	s2 =	sld [smem:$0x3F94];
	s0 =	simm.s32 @p1 $0x1  }
0x15: {  	[smem:$0x3FB1] =	sst s0;
	s0 =	simm.s32 @!p2 $0x0  }
0x16: {  	s3 =	sld [smem:$0x3FDB];
	s0 =	simm.s32 @p2 $0x1  }
0x17: {  	s4 =	simm.s32 $0x1BF5;
	[smem:$0x3FB3] =	sst s0  }
0x18: {  	s0 =	sld [smem:$0x3F96];
	_ =	swait.ge [sflag:s4], $0x0  }
0x19: {  	s7 =	sld [smem:$0x3F97]  }
0x1a: {  	s8 =	sadd.s32 $0xFFFFE003, lr  }
0x1b: {  	s9 =	sadd.s32 $0xFFFFFEF7, lr;
	s5 =	simm.s32 $0xFFFFFFFF;
	p2 =	slt.u32 s8, $0xFFFFF086  }
0x1c: {  	p1 =	slt.u32 s9, $0xF7A;
	s5 =	simm.s32 @!p2 $0x0  }
0x1d: {  	s5 =	simm.s32 @p1 $0x1;
	p0 =	seq.s32 s7, s2  }
0x1e: {  	s7 =	smul.u32 @!p0 $0xF7A, s2;
	p2 =	seq.s32 @!p0 s5, $0x0  }
0x1f: {  	s9 =	smul.u32 $0xF7A, s1;
	s8 =	simm.s32 @!p0 $0x1BF5;
	p2 =	por !p2, p0  }
0x20: {  	[sflag:s8] =	ssyncset.s32 @!p0 $0xFFFFF086;
	s6 =	sadd.s32 @!p0 s3, s7;
	s7 =	simm.s32 @!p0 $0x108  }
0x21: {  	s3 =	sadd.s32 s3, s9;
	s6 =	sadd.s32 @!p0 $0x88, s6;
	s7 =	simm.s32 @p2 $0x1082  }
0x22: {  	[simem:s7], [sflag:s8] =	dma.local @!p0 [hbm:s6], $0xF7A  }
0x23: {  	s9 =	sor.u32 $0xD0000000, s2;
	s6 =	simm.s32 $0x108;
	_ =	swait.ge @!p0 [sflag:s8], $0x0  }
0x24: {  	s3 =	sadd.s32 $0x88, s3;
	s6 =	simm.s32 @!p1 $0x1082;
	[sflag:s4] =	ssyncset.s32 $0xFFFFF086  }
0x25: {  	[simem:s6], [sflag:s4] =	dma.local [hbm:s3], $0xF7A  }
0x26: {  	[smem:$0x3F97] =	sst s1;
	(tag) =	ssettag s2;
	_ =	strace s9  }
0x27: {  	s1 =	sld [smem:$0x3FA7]  }
0x28: {  	s2 =	sld [smem:$0x3FA8]  }
0x29: {  	s4 =	sld [smem:$0x3FAA]  }
0x2a: {  	p0 =	seq.s32 s5, $0x0;
	s5 =	sld [smem:$0x3FAB]  }
0x2b: {  	s6 =	sld [smem:$0x3FAC]  }
0x2c: {  	s7 =	sld [smem:$0x3FAD]  }
0x2d: {  	s3 =	simm.s32 $0x108;
	s8 =	sld [smem:$0x3FAE]  }
0x2e: {  	s3 =	simm.s32 @!p0 $0x1082;
	s9 =	sld [smem:$0x3FAF]  }
0x2f: {  	lr =	sadd.s32 s0, s3;
	s0 =	sld [smem:$0x3FA6]  }
0x30: {  	s3 =	sld [smem:$0x3FA9]  }
0x31: {  	[smem:$0x3FB2] =	sst s10  }
0x32: {  	s10 =	sld [smem:$0x3FB0];
	_ =	sdelay $0x3  }
0x33: {  	p0 =	seq.s32 s10, $0x1;
	s10 =	sld [smem:$0x3FB2];
	_ =	sdelay $0x3  }
0x34: {  	[smem:$0x3FB2] =	sst s10  }
0x35: {  	s10 =	sld [smem:$0x3FB1];
	_ =	sdelay $0x3  }
0x36: {  	p1 =	seq.s32 s10, $0x1;
	s10 =	sld [smem:$0x3FB2];
	_ =	sdelay $0x3  }
0x37: {  	[smem:$0x3FB2] =	sst s10  }
0x38: {  	s10 =	sld [smem:$0x3FB3]  }
0x39: {  	_ = 	snop;
	(pc) =	sbr.ind lr, $3  }
0x3a: {  	_ = 	snop  }
0x3b: {  	_ = 	snop  }
0x3c: {  	p2 =	seq.s32 s10, $0x1;
	s10 =	sld [smem:$0x3FB2]  }
0x3d: {  	_ =	shalt  }
0x3e: {  	_ =	shalt  }
0x3f: {  	_ =	shalt  }
0x40: {  	_ =	shalt  }
0x41: {  	_ =	shalt  }
0x42: {  	_ =	shalt  }
0x43: {  	_ =	shalt  }
0x44: {  	_ =	shalt  }
0x45: {  	_ =	shalt  }
0x46: {  	_ =	shalt  }
0x47: {  	_ =	shalt  }
0x48: {  	_ =	shalt  }
0x49: {  	_ =	shalt  }
0x4a: {  	_ =	shalt  }
0x4b: {  	_ =	shalt  }
0x4c: {  	_ =	shalt  }
0x4d: {  	_ =	shalt  }
0x4e: {  	_ =	shalt  }
0x4f: {  	_ =	shalt  }
0x50: {  	_ =	shalt  }
0x51: {  	_ =	shalt  }
0x52: {  	_ =	shalt  }
0x53: {  	_ =	shalt  }
0x54: {  	_ =	shalt  }
0x55: {  	_ =	shalt  }
0x56: {  	_ =	shalt  }
0x57: {  	_ =	shalt  }
0x58: {  	_ =	shalt  }
0x59: {  	_ =	shalt  }
0x5a: {  	_ =	shalt  }
0x5b: {  	_ =	shalt  }
0x5c: {  	_ =	shalt  }
0x5d: {  	_ =	shalt  }
0x5e: {  	_ =	shalt  }
0x5f: {  	_ =	shalt  }
0x60: {  	_ =	shalt  }
0x61: {  	_ =	shalt  }
0x62: {  	_ =	shalt  }
0x63: {  	_ =	shalt  }
0x64: {  	_ =	shalt  }
0x65: {  	_ =	shalt  }
0x66: {  	_ =	shalt  }
0x67: {  	_ =	shalt  }
0x68: {  	_ =	shalt  }
0x69: {  	_ =	shalt  }
0x6a: {  	_ =	shalt  }
0x6b: {  	_ =	shalt  }
0x6c: {  	_ =	shalt  }
0x6d: {  	_ =	shalt  }
0x6e: {  	_ =	shalt  }
0x6f: {  	_ =	shalt  }
0x70: {  	_ =	shalt  }
0x71: {  	_ =	shalt  }
0x72: {  	_ =	shalt  }
0x73: {  	_ =	shalt  }
0x74: {  	_ =	shalt  }
0x75: {  	_ =	shalt  }
0x76: {  	_ =	shalt  }
0x77: {  	_ =	shalt  }
0x78: {  	_ =	shalt  }
0x79: {  	_ =	shalt  }
0x7a: {  	_ =	shalt  }
0x7b: {  	_ =	shalt  }
0x7c: {  	_ =	shalt  }
0x7d: {  	_ =	shalt  }
0x7e: {  	_ =	shalt  }
0x7f: {  	_ =	shalt  }
0x80: {  	_ =	shalt  }
0x81: {  	_ =	shalt  }
0x82: {  	_ =	shalt  }
0x83: {  	_ =	shalt  }
0x84: {  	_ =	shalt  }
0x85: {  	_ =	shalt  }
0x86: {  	_ =	shalt  }
0x87: {  	_ =	shalt  }
.Lfunc_end0:
.L_simem_size_0:
called_computation.1_lowered:
.L_overlay_start_0:
0x88: {  	s2 =	sld [smem:$0x3FD9]  }
0x89: {  	s3 =	sld [smem:$0x3FFE];
	_ =	sdelay $0x1  }
0x8a: {  	s1 =	srdreg.scid  }
0x8b: {  	s0 =	sand.u32 $0x1, s1  }
0x8c: {  	s17 =	sshll.u32 s0, $0xA;
	s2 =	sadd.s32 s3, s2  }
0x8d: {  	s2 =	sadd.s32 s2, s17  }
0x8e: {  	[smem:$0x3FBE] =	sst s2  }
0x8f: {  	_ = 	snop  }
0x90: {  	s2 =	sld [smem:$0x3FD0];
	(tm) =	ssettm $0x1  }
0x91: {  	s18 =	sld [smem:$0x3FFB];
	_ =	sdelay $0x3  }
0x92: {  	_ =	strace s18  }
0x93: {  	s3 =	sld [smem:$0x3FFC];
	_ =	sdelay $0x3  }
0x94: {  	_ =	strace s3  }
0x95: {  	s3 =	sld [smem:$0x3FFD];
	_ =	sdelay $0x3  }
0x96: {  	_ =	strace s3  }
0x97: {  	_ =	strace $0x8FFFFFFF  }
0x98: {  	s19 =	sld [smem:$0x3FDB];
	_ =	sdelay $0x1  }
0x99: {  	s4 =	simm.s32 $_scs_section_size  }
0x9a: {  	s5 =	simm.s32 $_size__tile_overlayer_lowered;
	s6 =	simm.s32 $_tile_overlayer_lowered  }
0x9b: {  	s22 =	simm.s32 $0x1BFF;
	s21 =	sshll.u32 s6, $0x1;
	s3 =	sadd.s32 s4, s19  }
0x9c: {  	s7 =	simm.s32 $0x0;
	s20 =	sshll.u32 s5, $0x1;
	s5 =	sadd.s32 s21, s3  }
0x9d: {  	[timem:s7], [sflag:s22] =	dma.local [hbm:s5], s20  }
0x9e: {  	_ =	swait.ge [sflag:s22], s20  }
0x9f: {  	s4 =	ssub.s32 $0x0, s20;
	[sflag:s22] =	ssyncset.done $0x0  }
0xa0: {  	[sflag:s22] =	ssyncadd.s32 s4;
	_ =	sdelay $0x1  }
0xa1: {  	s23 =	simm.s32 $0x1B8B  }
0xa2: {  	_ =	swait.ge [sflag:s23], $0x1  }
0xa3: {  	[sflag:s23] =	ssyncset.done $0x0  }
0xa4: {  	s25 =	simm.s32 $0x1B8E;
	s24 =	sld [smem:$0x3FFE];
	[sflag:s23] =	ssyncadd.s32 $0xFFFFFFFF  }
0xa5: {  	s26 =	simm.s32 $execute0_lowered;
	[smem:$0x3FD2] =	sst s25  }
0xa6: {  	s5 =	sshll.u32 s26, $0x1;
	_ =	strace $0x80000049;
	[dreg:$0x1] =	wrdreg $0xFFFFFFFF  }
0xa7: {  	s28 =	simm.s32 $_size_execute0_lowered;
	s3 =	sadd.s32 s3, s5;
	[dreg:$0x0] =	wrdreg $0x0  }
0xa8: {  	s5 =	sshll.u32 s28, $0x1;
	[dreg:$0x2] =	wrdreg s3  }
0xa9: {  	[dreg:$0x3] =	wrdreg s5  }
0xaa: {  	[dreg:$0x4] =	wrdreg $0xC0  }
0xab: {  	_ =	task [dreg:s7], $0x5FFFF  }
0xac: {  	[dreg:$0x1] =	wrdreg $0xFFFFFFFF  }
0xad: {  	[dreg:$0x0] =	wrdreg $0x60  }
0xae: {  	[dreg:$0x2] =	wrdreg s24  }
0xaf: {  	[dreg:$0x3] =	wrdreg s2  }
0xb0: {  	[dreg:$0x4] =	wrdreg $0x9  }
0xb1: {  	_ =	task.clear_ibuf [dreg:s7], $0x5FFFF;
	_ =	strace $0x90000049  }
0xb2: {  	s29 =	simm.s32 $0x9;
	_ =	strace $0x8000004B  }
0xb3: {  	_ =	swait.ge [sflag:s29], $0x1  }
0xb4: {  	[sflag:s29] =	ssyncadd.s32 $0xFFFFFFFF  }
0xb5: {  	_ =	strace $0x9000004B  }
0xb6: {  	_ =	sfence  }
0xb7: {  	s30 =	sld [smem:$0x0];
	_ =	sdelay $0x2  }
0xb8: {  	s31 =	sshll.u32 s1, $0xD;
	s1 =	sshrl.u32 s1, $0x2  }
0xb9: {  	s3 =	sand.u32 $0x4000, s31;
	s1 =	sadd.s32 s1, s30  }
0xba: {  	s0 =	sor.u32 s3, s0;
	s1 =	sshll.u32 s1, $0x11  }
0xbb: {  	s0 =	sor.u32 s1, s0  }
0xbc: {  	s0 =	sadd.s32 $0x8F2B, s0  }
0xbd: {  	[sflag:s0] =	ssyncadd.remote.s32 $0x1  }
0xbe: {  	_ =	sfence.sel $0xFFFF  }
0xbf: {  	[dreg:$0x0] =	wrdreg $0xFFFFFFFF;
	(pc) =	sbr.abs _section_cstart, $3  }
0xc0: {  	[dreg:$0x1] =	wrdreg $0xFFFFFFFF  }
0xc1: {  	_ =	task.clear_ibuf [dreg:s7], $0x2FFFF;
	_ =	strace $0x9FFFFFFF  }
0xc2: {  	(tm) =	ssettm $0x7FFFFFFF  }
0xc3: {  	_ =	shalt  }
tec
execute0_lowered:
.L_overlay_start_1:
0x0: {  	(tag) =	ssettag $0x1  }
0x1: {  	s0 =	rddreg [dreg:$0x0]  }
0x2: {  	s1 =	rddreg [dreg:$0x1]  }
0x3: {  	s3 =	srdreg.scid;
	s2 =	simm.s32 $0x0;
	s5 =	stileid.u32  }
0x4: {  	s28 =	simm.s32 $0x100;
	s29 =	simm.s32 $0x2900;
	s30 =	simm.s32 $0x3100  }
0x5: {  	s31 =	simm.s32 $0x3900;
	s12 =	simm.s32 $0x6100;
	s13 =	simm.s32 $0x6900  }
0x6: {  	s14 =	simm.s32 $0x7100;
	s15 =	simm.s32 $0x7900;
	s16 =	simm.s32 $0x8900  }
0x7: {  	s17 =	simm.s32 $0x9100;
	s4 =	sand.u32 $0x1, s3;
	[smem:$0x7FF] =	sst s2  }
0x8: {  	s18 =	sshll.u32 s5, $0x7;
	s6 =	sadd.s32 $0xB1800, s0;
	s7 =	sadd.s32 $0x1200, s0  }
0x9: {  	s3 =	sadd.s32 $0x1400, s0;
	s9 =	sadd.s32 $0xB1A00, s0;
	s19 =	sshll.u32 s4, $0x6  }
0xa: {  	_ =	strace $0x8000004A;
	s4 =	ssub.s32 $0x2, s4;
	s5 =	sor.u32 s19, s18  }
0xb: {  	s11 =	sshrl.u32 s4, $0x1;
	s18 =	simm.s32 $0x9900;
	s19 =	simm.s32 $0xA100  }
0xc: {  	s8 =	sshrl.u32 s5, $0x3;
	s20 =	sshll.u32 s5, $0x7;
	s5 =	sor.u32 $0x20, s5  }
0xd: {  	s25 =	ssub.s32 s4, s11;
	s4 =	sadd.s32 $0x1500, s0;
	s10 =	sadd.s32 s6, s8  }
0xe: {  	s11 =	simm.s32 $0x5900;
	s8 =	sadd.s32 s7, s8;
	[dreg:$0x3] =	wrdreg s10  }
0xf: {  	s21 =	sadd.s32 s1, s20;
	s22 =	sadd.s32 s9, s20;
	[dreg:$0x4] =	wrdreg s8  }
0x10: {  	s23 =	sshrl.u32 s5, $0x3;
	s5 =	sshll.u32 s5, $0x7;
	[dreg:$0x5] =	wrdreg s21  }
0x11: {  	[dreg:$0x6] =	wrdreg s22;
	s6 =	sadd.s32 s6, s23;
	s24 =	sadd.s32 s7, s23  }
0x12: {  	s1 =	sadd.s32 s1, s5;
	s26 =	sadd.s32 s9, s5;
	s5 =	sadd.s32 $0x1600, s0  }
0x13: {  	s7 =	smax.u32 s25, $0x1;
	s8 =	simm.s32 $0x2;
	s21 =	simm.s32 $0x80  }
0x14: {  	s22 =	simm.s32 $0x900;
	s23 =	simm.s32 $0x1100;
	[dreg:$0x7] =	wrdreg s6  }
0x15: {  	v2 =	vlaneseq.u32;
	s25 =	simm.s32 $0x2100;
	s9 =	simm.s32 $0x5100;
	[dreg:$0x8] =	wrdreg s24  }
0x16: {  	vm0 =	vmmov $0xffff;
	v1 =	vshrl.u32 v2, $0x3;
	s10 =	simm.s32 $0xA900;
	[dreg:$0x9] =	wrdreg s1;
	s6 =	sadd.s32 $0x1700, s0  }
0x17: {  	v0 =	vand.u32 $0x7, v2;
	v2 =	vor.u32 $0x8, v2;
	v1 =	vmul.u32 $0x8, v1;
	[dreg:$0xa] =	wrdreg s26;
	s26 =	simm.s32 $0x1;
	s24 =	simm.s32 $0x1900  }
.LBB2_1:
0x18: {  	s20 =	rddreg [dreg:$0x3]  }
0x19: {  	[tilespmem:s2], [sflag:$0x2] =	stream.linear.gather [hbm4b:s20+s2], $0x20, $0x38;
	[tilespmem:$0x10100] =	vst v63  }
0x1a: {  	_ =	swait.ge [sflag:s8], $0x20  }
0x1b: {  	[sflag:s8] =	ssyncset.done $0x0  }
0x1c: {  	s1 =	rddreg [dreg:$0x4];
	[sflag:s8] =	ssyncadd.s32 $0xFFFFFFE0  }
0x1d: {  	[tilespmem:s21], [sflag:$0x2] =	stream.linear.gather [hbm4b:s1+s2], $0x20, $0x38;
	[tilespmem:$0x10100] =	vst v63  }
0x1e: {  	_ =	swait.ge [sflag:s8], $0x20  }
0x1f: {  	[sflag:s8] =	ssyncset.done $0x0  }
0x20: {  	[sflag:s8] =	ssyncadd.s32 $0xFFFFFFE0  }
0x21: {  	v3 =	vld [tilespmem:$0x0];
	_ =	sdelay $0x4  }
0x22: {  	v4 =	vshll.u32 v3, $0x3  }
0x23: {  	v3 =	vand.u32 $0x7, v3;
	v4 =	vand.u32 $0xFFFFFFC0, v4  }
0x24: {  	v3 =	vor.u32 v3, v4  }
0x25: {  	v4 =	vperm.xlane v3, v0;
	_ =	sdelay $0x1  }
0x26: {  	v4 =	vadd.s32 v1, v4;
	_ =	sdelay $0x4  }
0x27: {  	[tilespmem:s28], [sflag:$0x1] =	stream.indirect_vreg.gather [hbm4b:s3+s2], $0x80, v4, vm0, $0xb8;
	[tilespmem:$0x10100] =	vst v63  }
0x28: {  	v3 =	vperm.xlane v3, v2  }
0x29: {  	[tilespmem:s22], [sflag:$0x1] =	stream.indirect_vreg.gather [hbm4b:s4+s2], $0x80, v4, vm0, $0xb8;
	[tilespmem:$0x10100] =	vst v63  }
0x2a: {  	v3 =	vadd.s32 v1, v3  }
0x2b: {  	[tilespmem:s23], [sflag:$0x1] =	stream.indirect_vreg.gather [hbm4b:s5+s2], $0x80, v4, vm0, $0xb8;
	[tilespmem:$0x10100] =	vst v63  }
0x2c: {  	_ = 	snop  }
0x2d: {  	[tilespmem:s24], [sflag:$0x1] =	stream.indirect_vreg.gather [hbm4b:s6+s2], $0x80, v4, vm0, $0xb8;
	[tilespmem:$0x10100] =	vst v63  }
0x2e: {  	_ = 	snop  }
0x2f: {  	[tilespmem:s25], [sflag:$0x1] =	stream.indirect_vreg.gather [hbm4b:s3+s2], $0x80, v3, vm0, $0xb8;
	[tilespmem:$0x10100] =	vst v63  }
0x30: {  	_ = 	snop  }
0x31: {  	[tilespmem:s29], [sflag:$0x1] =	stream.indirect_vreg.gather [hbm4b:s4+s2], $0x80, v3, vm0, $0xb8;
	[tilespmem:$0x10100] =	vst v63  }
0x32: {  	_ = 	snop  }
0x33: {  	[tilespmem:s30], [sflag:$0x1] =	stream.indirect_vreg.gather [hbm4b:s5+s2], $0x80, v3, vm0, $0xb8;
	[tilespmem:$0x10100] =	vst v63  }
0x34: {  	_ = 	snop  }
0x35: {  	[tilespmem:s31], [sflag:$0x1] =	stream.indirect_vreg.gather [hbm4b:s6+s2], $0x80, v3, vm0, $0xb8;
	[tilespmem:$0x10100] =	vst v63  }
0x36: {  	v3 =	vld [tilespmem:$0x10];
	_ =	sdelay $0x4  }
0x37: {  	v57 =	vshll.u32 v3, $0x3  }
0x38: {  	v3 =	vand.u32 $0x7, v3;
	v4 =	vand.u32 $0xFFFFFFC0, v57  }
0x39: {  	v3 =	vor.u32 v3, v4  }
0x3a: {  	v4 =	vperm.xlane v3, v0;
	_ =	sdelay $0x1  }
0x3b: {  	v4 =	vadd.s32 v1, v4;
	_ =	sdelay $0x3  }
0x3c: {  	s0 =	simm.s32 $0x4100  }
0x3d: {  	[tilespmem:s0], [sflag:$0x1] =	stream.indirect_vreg.gather [hbm4b:s3+s2], $0x80, v4, vm0, $0xb8;
	[tilespmem:$0x10100] =	vst v63  }
0x3e: {  	s1 =	simm.s32 $0x4900;
	v3 =	vperm.xlane v3, v2  }
0x3f: {  	[tilespmem:s1], [sflag:$0x1] =	stream.indirect_vreg.gather [hbm4b:s4+s2], $0x80, v4, vm0, $0xb8;
	[tilespmem:$0x10100] =	vst v63  }
0x40: {  	v3 =	vadd.s32 v1, v3  }
0x41: {  	[tilespmem:s9], [sflag:$0x1] =	stream.indirect_vreg.gather [hbm4b:s5+s2], $0x80, v4, vm0, $0xb8;
	[tilespmem:$0x10100] =	vst v63  }
0x42: {  	_ = 	snop  }
0x43: {  	[tilespmem:s11], [sflag:$0x1] =	stream.indirect_vreg.gather [hbm4b:s6+s2], $0x80, v4, vm0, $0xb8;
	[tilespmem:$0x10100] =	vst v63  }
0x44: {  	_ = 	snop  }
0x45: {  	[tilespmem:s12], [sflag:$0x1] =	stream.indirect_vreg.gather [hbm4b:s3+s2], $0x80, v3, vm0, $0xb8;
	[tilespmem:$0x10100] =	vst v63  }
0x46: {  	_ = 	snop  }
0x47: {  	[tilespmem:s13], [sflag:$0x1] =	stream.indirect_vreg.gather [hbm4b:s4+s2], $0x80, v3, vm0, $0xb8;
	[tilespmem:$0x10100] =	vst v63  }
0x48: {  	_ = 	snop  }
0x49: {  	[tilespmem:s14], [sflag:$0x1] =	stream.indirect_vreg.gather [hbm4b:s5+s2], $0x80, v3, vm0, $0xb8;
	[tilespmem:$0x10100] =	vst v63  }
0x4a: {  	_ = 	snop  }
0x4b: {  	[tilespmem:s15], [sflag:$0x1] =	stream.indirect_vreg.gather [hbm4b:s6+s2], $0x80, v3, vm0, $0xb8;
	[tilespmem:$0x10100] =	vst v63  }
0x4c: {  	_ =	swait.ge [sflag:s26], $0x8000  }
0x4d: {  	[sflag:s26] =	ssyncset.done $0x0  }
0x4e: {  	s0 =	rddreg [dreg:$0x5];
	[sflag:s26] =	ssyncadd.s32 $0xFFFF8000  }
0x4f: {  	[hbm4b:s0+s2] =	stream.linear.scatter [tilespmem:s28], [sflag:$0x2], $0x8000, $0x38;
	[tilespmem:$0x10100] =	vst v63  }
0x50: {  	_ =	swait.ge [sflag:s8], $0x8000  }
0x51: {  	[sflag:s8] =	ssyncset.done $0x0  }
0x52: {  	[sflag:s8] =	ssyncadd.s32 $0xFFFF8000  }
0x53: {  	v3 =	vld [tilespmem:$0x80];
	_ =	sdelay $0x4  }
0x54: {  	v58 =	vshll.u32 v3, $0x3  }
0x55: {  	v3 =	vand.u32 $0x7, v3;
	v4 =	vand.u32 $0xFFFFFFC0, v58  }
0x56: {  	v3 =	vor.u32 v3, v4  }
0x57: {  	v4 =	vperm.xlane v3, v0;
	_ =	sdelay $0x1  }
0x58: {  	v4 =	vadd.s32 v1, v4;
	_ =	sdelay $0x3  }
0x59: {  	s0 =	simm.s32 $0x8100  }
0x5a: {  	[tilespmem:s0], [sflag:$0x1] =	stream.indirect_vreg.gather [hbm4b:s3+s2], $0x80, v4, vm0, $0xb8;
	[tilespmem:$0x10100] =	vst v63  }
0x5b: {  	v3 =	vperm.xlane v3, v2  }
0x5c: {  	[tilespmem:s16], [sflag:$0x1] =	stream.indirect_vreg.gather [hbm4b:s4+s2], $0x80, v4, vm0, $0xb8;
	[tilespmem:$0x10100] =	vst v63  }
0x5d: {  	v3 =	vadd.s32 v1, v3  }
0x5e: {  	[tilespmem:s17], [sflag:$0x1] =	stream.indirect_vreg.gather [hbm4b:s5+s2], $0x80, v4, vm0, $0xb8;
	[tilespmem:$0x10100] =	vst v63  }
0x5f: {  	_ = 	snop  }
0x60: {  	[tilespmem:s18], [sflag:$0x1] =	stream.indirect_vreg.gather [hbm4b:s6+s2], $0x80, v4, vm0, $0xb8;
	[tilespmem:$0x10100] =	vst v63  }
0x61: {  	_ = 	snop  }
0x62: {  	[tilespmem:s19], [sflag:$0x1] =	stream.indirect_vreg.gather [hbm4b:s3+s2], $0x80, v3, vm0, $0xb8;
	[tilespmem:$0x10100] =	vst v63  }
0x63: {  	_ = 	snop  }
0x64: {  	[tilespmem:s10], [sflag:$0x1] =	stream.indirect_vreg.gather [hbm4b:s4+s2], $0x80, v3, vm0, $0xb8;
	[tilespmem:$0x10100] =	vst v63  }
0x65: {  	s20 =	simm.s32 $0xB100  }
0x66: {  	[tilespmem:s20], [sflag:$0x1] =	stream.indirect_vreg.gather [hbm4b:s5+s2], $0x80, v3, vm0, $0xb8;
	[tilespmem:$0x10100] =	vst v63  }
0x67: {  	s20 =	simm.s32 $0xB900  }
0x68: {  	[tilespmem:s20], [sflag:$0x1] =	stream.indirect_vreg.gather [hbm4b:s6+s2], $0x80, v3, vm0, $0xb8;
	[tilespmem:$0x10100] =	vst v63  }
0x69: {  	v3 =	vld [tilespmem:$0x90];
	_ =	sdelay $0x4  }
0x6a: {  	v59 =	vshll.u32 v3, $0x3  }
0x6b: {  	v3 =	vand.u32 $0x7, v3;
	v4 =	vand.u32 $0xFFFFFFC0, v59  }
0x6c: {  	v3 =	vor.u32 v3, v4  }
0x6d: {  	v4 =	vperm.xlane v3, v0;
	_ =	sdelay $0x1  }
0x6e: {  	v4 =	vadd.s32 v1, v4;
	_ =	sdelay $0x3  }
0x6f: {  	s20 =	simm.s32 $0xC100  }
0x70: {  	[tilespmem:s20], [sflag:$0x1] =	stream.indirect_vreg.gather [hbm4b:s3+s2], $0x80, v4, vm0, $0xb8;
	[tilespmem:$0x10100] =	vst v63  }
0x71: {  	v3 =	vperm.xlane v3, v2;
	s20 =	simm.s32 $0xC900  }
0x72: {  	[tilespmem:s20], [sflag:$0x1] =	stream.indirect_vreg.gather [hbm4b:s4+s2], $0x80, v4, vm0, $0xb8;
	[tilespmem:$0x10100] =	vst v63  }
0x73: {  	v3 =	vadd.s32 v1, v3;
	s20 =	simm.s32 $0xD100  }
0x74: {  	[tilespmem:s20], [sflag:$0x1] =	stream.indirect_vreg.gather [hbm4b:s5+s2], $0x80, v4, vm0, $0xb8;
	[tilespmem:$0x10100] =	vst v63  }
0x75: {  	s20 =	simm.s32 $0xD900  }
0x76: {  	[tilespmem:s20], [sflag:$0x1] =	stream.indirect_vreg.gather [hbm4b:s6+s2], $0x80, v4, vm0, $0xb8;
	[tilespmem:$0x10100] =	vst v63  }
0x77: {  	s20 =	simm.s32 $0xE100  }
0x78: {  	[tilespmem:s20], [sflag:$0x1] =	stream.indirect_vreg.gather [hbm4b:s3+s2], $0x80, v3, vm0, $0xb8;
	[tilespmem:$0x10100] =	vst v63  }
0x79: {  	s20 =	simm.s32 $0xE900  }
0x7a: {  	[tilespmem:s20], [sflag:$0x1] =	stream.indirect_vreg.gather [hbm4b:s4+s2], $0x80, v3, vm0, $0xb8;
	[tilespmem:$0x10100] =	vst v63  }
0x7b: {  	s20 =	simm.s32 $0xF100  }
0x7c: {  	[tilespmem:s20], [sflag:$0x1] =	stream.indirect_vreg.gather [hbm4b:s5+s2], $0x80, v3, vm0, $0xb8;
	[tilespmem:$0x10100] =	vst v63  }
0x7d: {  	s20 =	simm.s32 $0xF900  }
0x7e: {  	[tilespmem:s20], [sflag:$0x1] =	stream.indirect_vreg.gather [hbm4b:s6+s2], $0x80, v3, vm0, $0xb8;
	[tilespmem:$0x10100] =	vst v63  }
0x7f: {  	_ =	swait.ge [sflag:s26], $0x8000  }
0x80: {  	[sflag:s26] =	ssyncset.done $0x0  }
0x81: {  	s20 =	rddreg [dreg:$0x6];
	[sflag:s26] =	ssyncadd.s32 $0xFFFF8000  }
0x82: {  	[hbm4b:s20+s2] =	stream.linear.scatter [tilespmem:s0], [sflag:$0x2], $0x8000, $0x38;
	[tilespmem:$0x10100] =	vst v63  }
0x83: {  	_ =	swait.ge [sflag:s8], $0x8000  }
0x84: {  	[sflag:s8] =	ssyncset.done $0x0  }
0x85: {  	s20 =	rddreg [dreg:$0x7];
	[sflag:s8] =	ssyncadd.s32 $0xFFFF8000  }
0x86: {  	[tilespmem:s2], [sflag:$0x2] =	stream.linear.gather [hbm4b:s20+s2], $0x20, $0x38;
	[tilespmem:$0x10100] =	vst v63  }
0x87: {  	_ =	swait.ge [sflag:s8], $0x20  }
0x88: {  	[sflag:s8] =	ssyncset.done $0x0  }
0x89: {  	s20 =	rddreg [dreg:$0x8];
	[sflag:s8] =	ssyncadd.s32 $0xFFFFFFE0  }
0x8a: {  	[tilespmem:s21], [sflag:$0x2] =	stream.linear.gather [hbm4b:s20+s2], $0x20, $0x38;
	[tilespmem:$0x10100] =	vst v63  }
0x8b: {  	_ =	swait.ge [sflag:s8], $0x20  }
0x8c: {  	[sflag:s8] =	ssyncset.done $0x0  }
0x8d: {  	[sflag:s8] =	ssyncadd.s32 $0xFFFFFFE0  }
0x8e: {  	v3 =	vld [tilespmem:$0x0];
	_ =	sdelay $0x4  }
0x8f: {  	v60 =	vshll.u32 v3, $0x3  }
0x90: {  	v3 =	vand.u32 $0x7, v3;
	v4 =	vand.u32 $0xFFFFFFC0, v60  }
0x91: {  	v3 =	vor.u32 v3, v4  }
0x92: {  	v4 =	vperm.xlane v3, v0;
	_ =	sdelay $0x1  }
0x93: {  	v4 =	vadd.s32 v1, v4;
	_ =	sdelay $0x4  }
0x94: {  	[tilespmem:s28], [sflag:$0x1] =	stream.indirect_vreg.gather [hbm4b:s3+s2], $0x80, v4, vm0, $0xb8;
	[tilespmem:$0x10100] =	vst v63  }
0x95: {  	v3 =	vperm.xlane v3, v2  }
0x96: {  	[tilespmem:s22], [sflag:$0x1] =	stream.indirect_vreg.gather [hbm4b:s4+s2], $0x80, v4, vm0, $0xb8;
	[tilespmem:$0x10100] =	vst v63  }
0x97: {  	v3 =	vadd.s32 v1, v3  }
0x98: {  	[tilespmem:s23], [sflag:$0x1] =	stream.indirect_vreg.gather [hbm4b:s5+s2], $0x80, v4, vm0, $0xb8;
	[tilespmem:$0x10100] =	vst v63  }
0x99: {  	_ = 	snop  }
0x9a: {  	[tilespmem:s24], [sflag:$0x1] =	stream.indirect_vreg.gather [hbm4b:s6+s2], $0x80, v4, vm0, $0xb8;
	[tilespmem:$0x10100] =	vst v63  }
0x9b: {  	_ = 	snop  }
0x9c: {  	[tilespmem:s25], [sflag:$0x1] =	stream.indirect_vreg.gather [hbm4b:s3+s2], $0x80, v3, vm0, $0xb8;
	[tilespmem:$0x10100] =	vst v63  }
0x9d: {  	_ = 	snop  }
0x9e: {  	[tilespmem:s29], [sflag:$0x1] =	stream.indirect_vreg.gather [hbm4b:s4+s2], $0x80, v3, vm0, $0xb8;
	[tilespmem:$0x10100] =	vst v63  }
0x9f: {  	_ = 	snop  }
0xa0: {  	[tilespmem:s30], [sflag:$0x1] =	stream.indirect_vreg.gather [hbm4b:s5+s2], $0x80, v3, vm0, $0xb8;
	[tilespmem:$0x10100] =	vst v63  }
0xa1: {  	_ = 	snop  }
0xa2: {  	[tilespmem:s31], [sflag:$0x1] =	stream.indirect_vreg.gather [hbm4b:s6+s2], $0x80, v3, vm0, $0xb8;
	[tilespmem:$0x10100] =	vst v63  }
0xa3: {  	v3 =	vld [tilespmem:$0x10];
	_ =	sdelay $0x4  }
0xa4: {  	v61 =	vshll.u32 v3, $0x3  }
0xa5: {  	v3 =	vand.u32 $0x7, v3;
	v4 =	vand.u32 $0xFFFFFFC0, v61  }
0xa6: {  	v3 =	vor.u32 v3, v4  }
0xa7: {  	v4 =	vperm.xlane v3, v0;
	_ =	sdelay $0x1  }
0xa8: {  	v4 =	vadd.s32 v1, v4;
	_ =	sdelay $0x3  }
0xa9: {  	s20 =	simm.s32 $0x4100  }
0xaa: {  	[tilespmem:s20], [sflag:$0x1] =	stream.indirect_vreg.gather [hbm4b:s3+s2], $0x80, v4, vm0, $0xb8;
	[tilespmem:$0x10100] =	vst v63  }
0xab: {  	v3 =	vperm.xlane v3, v2  }
0xac: {  	[tilespmem:s1], [sflag:$0x1] =	stream.indirect_vreg.gather [hbm4b:s4+s2], $0x80, v4, vm0, $0xb8;
	[tilespmem:$0x10100] =	vst v63  }
0xad: {  	v3 =	vadd.s32 v1, v3  }
0xae: {  	[tilespmem:s9], [sflag:$0x1] =	stream.indirect_vreg.gather [hbm4b:s5+s2], $0x80, v4, vm0, $0xb8;
	[tilespmem:$0x10100] =	vst v63  }
0xaf: {  	_ = 	snop  }
0xb0: {  	[tilespmem:s11], [sflag:$0x1] =	stream.indirect_vreg.gather [hbm4b:s6+s2], $0x80, v4, vm0, $0xb8;
	[tilespmem:$0x10100] =	vst v63  }
0xb1: {  	_ = 	snop  }
0xb2: {  	[tilespmem:s12], [sflag:$0x1] =	stream.indirect_vreg.gather [hbm4b:s3+s2], $0x80, v3, vm0, $0xb8;
	[tilespmem:$0x10100] =	vst v63  }
0xb3: {  	_ = 	snop  }
0xb4: {  	[tilespmem:s13], [sflag:$0x1] =	stream.indirect_vreg.gather [hbm4b:s4+s2], $0x80, v3, vm0, $0xb8;
	[tilespmem:$0x10100] =	vst v63  }
0xb5: {  	_ = 	snop  }
0xb6: {  	[tilespmem:s14], [sflag:$0x1] =	stream.indirect_vreg.gather [hbm4b:s5+s2], $0x80, v3, vm0, $0xb8;
	[tilespmem:$0x10100] =	vst v63  }
0xb7: {  	_ = 	snop  }
0xb8: {  	[tilespmem:s15], [sflag:$0x1] =	stream.indirect_vreg.gather [hbm4b:s6+s2], $0x80, v3, vm0, $0xb8;
	[tilespmem:$0x10100] =	vst v63  }
0xb9: {  	_ =	swait.ge [sflag:s26], $0x8000  }
0xba: {  	[sflag:s26] =	ssyncset.done $0x0  }
0xbb: {  	s1 =	rddreg [dreg:$0x9];
	[sflag:s26] =	ssyncadd.s32 $0xFFFF8000  }
0xbc: {  	[hbm4b:s1+s2] =	stream.linear.scatter [tilespmem:s28], [sflag:$0x2], $0x8000, $0x38;
	[tilespmem:$0x10100] =	vst v63  }
0xbd: {  	_ =	swait.ge [sflag:s8], $0x8000  }
0xbe: {  	[sflag:s8] =	ssyncset.done $0x0  }
0xbf: {  	[sflag:s8] =	ssyncadd.s32 $0xFFFF8000  }
0xc0: {  	v3 =	vld [tilespmem:$0x80];
	_ =	sdelay $0x4  }
0xc1: {  	v62 =	vshll.u32 v3, $0x3  }
0xc2: {  	v3 =	vand.u32 $0x7, v3;
	v4 =	vand.u32 $0xFFFFFFC0, v62  }
0xc3: {  	v3 =	vor.u32 v3, v4  }
0xc4: {  	v4 =	vperm.xlane v3, v0;
	_ =	sdelay $0x1  }
0xc5: {  	v4 =	vadd.s32 v1, v4;
	_ =	sdelay $0x4  }
0xc6: {  	[tilespmem:s0], [sflag:$0x1] =	stream.indirect_vreg.gather [hbm4b:s3+s2], $0x80, v4, vm0, $0xb8;
	[tilespmem:$0x10100] =	vst v63  }
0xc7: {  	v3 =	vperm.xlane v3, v2  }
0xc8: {  	[tilespmem:s16], [sflag:$0x1] =	stream.indirect_vreg.gather [hbm4b:s4+s2], $0x80, v4, vm0, $0xb8;
	[tilespmem:$0x10100] =	vst v63  }
0xc9: {  	v3 =	vadd.s32 v1, v3  }
0xca: {  	[tilespmem:s17], [sflag:$0x1] =	stream.indirect_vreg.gather [hbm4b:s5+s2], $0x80, v4, vm0, $0xb8;
	[tilespmem:$0x10100] =	vst v63  }
0xcb: {  	_ = 	snop  }
0xcc: {  	[tilespmem:s18], [sflag:$0x1] =	stream.indirect_vreg.gather [hbm4b:s6+s2], $0x80, v4, vm0, $0xb8;
	[tilespmem:$0x10100] =	vst v63  }
0xcd: {  	_ = 	snop  }
0xce: {  	[tilespmem:s19], [sflag:$0x1] =	stream.indirect_vreg.gather [hbm4b:s3+s2], $0x80, v3, vm0, $0xb8;
	[tilespmem:$0x10100] =	vst v63  }
0xcf: {  	_ = 	snop  }
0xd0: {  	[tilespmem:s10], [sflag:$0x1] =	stream.indirect_vreg.gather [hbm4b:s4+s2], $0x80, v3, vm0, $0xb8;
	[tilespmem:$0x10100] =	vst v63  }
0xd1: {  	s20 =	simm.s32 $0xB100  }
0xd2: {  	[tilespmem:s20], [sflag:$0x1] =	stream.indirect_vreg.gather [hbm4b:s5+s2], $0x80, v3, vm0, $0xb8;
	[tilespmem:$0x10100] =	vst v63  }
0xd3: {  	s20 =	simm.s32 $0xB900  }
0xd4: {  	[tilespmem:s20], [sflag:$0x1] =	stream.indirect_vreg.gather [hbm4b:s6+s2], $0x80, v3, vm0, $0xb8;
	[tilespmem:$0x10100] =	vst v63  }
0xd5: {  	v3 =	vld [tilespmem:$0x90];
	_ =	sdelay $0x4  }
0xd6: {  	v63 =	vshll.u32 v3, $0x3  }
0xd7: {  	v3 =	vand.u32 $0x7, v3;
	v4 =	vand.u32 $0xFFFFFFC0, v63  }
0xd8: {  	v3 =	vor.u32 v3, v4  }
0xd9: {  	v4 =	vperm.xlane v3, v0;
	_ =	sdelay $0x1  }
0xda: {  	v4 =	vadd.s32 v1, v4;
	_ =	sdelay $0x3  }
0xdb: {  	s20 =	simm.s32 $0xC100  }
0xdc: {  	[tilespmem:s20], [sflag:$0x1] =	stream.indirect_vreg.gather [hbm4b:s3+s2], $0x80, v4, vm0, $0xb8;
	[tilespmem:$0x10100] =	vst v63  }
0xdd: {  	v3 =	vperm.xlane v3, v2;
	s20 =	simm.s32 $0xC900  }
0xde: {  	[tilespmem:s20], [sflag:$0x1] =	stream.indirect_vreg.gather [hbm4b:s4+s2], $0x80, v4, vm0, $0xb8;
	[tilespmem:$0x10100] =	vst v63  }
0xdf: {  	v3 =	vadd.s32 v1, v3;
	s20 =	simm.s32 $0xD100  }
0xe0: {  	[tilespmem:s20], [sflag:$0x1] =	stream.indirect_vreg.gather [hbm4b:s5+s2], $0x80, v4, vm0, $0xb8;
	[tilespmem:$0x10100] =	vst v63  }
0xe1: {  	s20 =	simm.s32 $0xD900  }
0xe2: {  	[tilespmem:s20], [sflag:$0x1] =	stream.indirect_vreg.gather [hbm4b:s6+s2], $0x80, v4, vm0, $0xb8;
	[tilespmem:$0x10100] =	vst v63  }
0xe3: {  	s20 =	simm.s32 $0xE100  }
0xe4: {  	[tilespmem:s20], [sflag:$0x1] =	stream.indirect_vreg.gather [hbm4b:s3+s2], $0x80, v3, vm0, $0xb8;
	[tilespmem:$0x10100] =	vst v63  }
0xe5: {  	s20 =	simm.s32 $0xE900  }
0xe6: {  	[tilespmem:s20], [sflag:$0x1] =	stream.indirect_vreg.gather [hbm4b:s4+s2], $0x80, v3, vm0, $0xb8;
	[tilespmem:$0x10100] =	vst v63  }
0xe7: {  	s20 =	simm.s32 $0xF100  }
0xe8: {  	[tilespmem:s20], [sflag:$0x1] =	stream.indirect_vreg.gather [hbm4b:s5+s2], $0x80, v3, vm0, $0xb8;
	[tilespmem:$0x10100] =	vst v63  }
0xe9: {  	s20 =	simm.s32 $0xF900  }
0xea: {  	[tilespmem:s20], [sflag:$0x1] =	stream.indirect_vreg.gather [hbm4b:s6+s2], $0x80, v3, vm0, $0xb8;
	[tilespmem:$0x10100] =	vst v63  }
0xeb: {  	_ =	swait.ge [sflag:s26], $0x8000  }
0xec: {  	p0 =	sne.s32 s7, $0x1;
	[sflag:s26] =	ssyncset.done $0x0  }
.Ltmp0:
0xed: {  	s1 =	rddreg [dreg:$0xa];
	[sflag:s26] =	ssyncadd.s32 $0xFFFF8000;
	(pc) =	sbr.rel @p0 .LBB2_1-.Ltmp0, $4  }
0xee: {  	[hbm4b:s1+s2] =	stream.linear.scatter [tilespmem:s0], [sflag:$0x2], $0x8000, $0x38;
	[tilespmem:$0x10100] =	vst v63  }
0xef: {  	_ =	swait.ge [sflag:s8], $0x8000  }
0xf0: {  	[sflag:s8] =	ssyncset.done $0x0  }
0xf1: {  	s7 =	sadd.s32 $0xFFFFFFFF, s7;
	[sflag:s8] =	ssyncadd.s32 $0xFFFF8000  }
0xf2: {  	_ =	sfence.sel $0x180000  }
0xf3: {  	[bflag:$0x0] =	sbarrier.arrive $0xFFFF  }
0xf4: {  	_ =	strace $0x9000004A  }
0xf5: {  	s0 =	stileid.u32;
	[bflag:$0x2] =	sbarrier.arrive $0xFFFF  }
0xf6: {  	p0 =	sne.s32 s0, $0x0;
	s0 =	rddreg [dreg:$0x2]  }
0xf7: {  	s0 =	sadd.s32 @!p0 $0x100000, s0  }
0xf8: {  	[sflag:s0] =	ssyncadd.tile.s32 @!p0 $0x1;
	_ =	shalt  }
.Lfunc_end2:
_tile_overlayer_lowered:
.L_overlay_start_2:
0xf9: {  	(tag) =	ssettag $0x2  }
0xfa: {  	s0 =	rddreg [dreg:$0x0];
	s2 =	stileid.u32  }
0xfb: {  	s1 =	rddreg [dreg:$0x1];
	p0 =	sne.s32 s2, $0x0  }
0xfc: {  	s3 =	rddreg [dreg:$0x2];
	[bflag:$0x3] =	sbarrier.arrive $0xFFFF;
	s2 =	simm.s32 @!p0 $0x1C02  }
0xfd: {  	[timem:s3], [sflag:s2] =	dma.local @!p0 [hbm:s0], s1  }
0xfe: {  	s0 =	simm.s32 @!p0 $0x2  }
0xff: {  	_ =	swait.ge @!p0 [sflag:s0], s1  }
0x100: {  	s1 =	ssub.s32 @!p0 $0x0, s1;
	[sflag:s0] =	ssyncset.done @!p0 $0x0  }
0x101: {  	[sflag:s0] =	ssyncadd.s32 @!p0 s1  }
0x102: {  	[bflag:$0x3] =	sbarrier.arrive $0xFFFF  }
0x103: {  	_ =	shalt  }

// kernel: kernel.8.cloned.1.call-start
scs
__scs_entry_jumppad:
0x0: {  	(pc) =	sbr.rel $0x88, $3  }
0x1: {  	(tag) =	ssettag $0x0;
	lr =	simm.s32 $0x1  }
0x2: {  	[smem:$0x3F97] =	sst lr;
	_ =	strace $0xD0000000  }
0x3: {  	_ = 	snop  }
0x4: {  	_ = 	snop  }
0x5: {  	_ = 	snop  }
0x6: {  	_ = 	snop  }
0x7: {  	_ = 	snop  }
__scs_overlays_trampoline_lowered:
0x8: {  	[smem:$0x3FA6] =	sst s0  }
0x9: {  	[smem:$0x3FA7] =	sst s1  }
0xa: {  	[smem:$0x3FA8] =	sst s2  }
0xb: {  	[smem:$0x3FA9] =	sst s3  }
0xc: {  	[smem:$0x3FAA] =	sst s4  }
0xd: {  	[smem:$0x3FAB] =	sst s5  }
0xe: {  	[smem:$0x3FAC] =	sst s6  }
0xf: {  	[smem:$0x3FAD] =	sst s7  }
0x10: {  	[smem:$0x3FAE] =	sst s8  }
0x11: {  	[smem:$0x3FAF] =	sst s9;
	s0 =	simm.s32 @!p0 $0x0  }
0x12: {  	s1 =	sld [smem:$0x3F95];
	s0 =	simm.s32 @p0 $0x1  }
0x13: {  	[smem:$0x3FB0] =	sst s0;
	s0 =	simm.s32 @!p1 $0x0  }
0x14: {  	s2 =	sld [smem:$0x3F94];
	s0 =	simm.s32 @p1 $0x1  }
0x15: {  	[smem:$0x3FB1] =	sst s0;
	s0 =	simm.s32 @!p2 $0x0  }
0x16: {  	s3 =	sld [smem:$0x3FDB];
	s0 =	simm.s32 @p2 $0x1  }
0x17: {  	s4 =	simm.s32 $0x1BF5;
	[smem:$0x3FB3] =	sst s0  }
0x18: {  	s0 =	sld [smem:$0x3F96];
	_ =	swait.ge [sflag:s4], $0x0  }
0x19: {  	s7 =	sld [smem:$0x3F97]  }
0x1a: {  	s8 =	sadd.s32 $0xFFFFE003, lr  }
0x1b: {  	s9 =	sadd.s32 $0xFFFFFEF7, lr;
	s5 =	simm.s32 $0xFFFFFFFF;
	p2 =	slt.u32 s8, $0xFFFFF086  }
0x1c: {  	p1 =	slt.u32 s9, $0xF7A;
	s5 =	simm.s32 @!p2 $0x0  }
0x1d: {  	s5 =	simm.s32 @p1 $0x1;
	p0 =	seq.s32 s7, s2  }
0x1e: {  	s7 =	smul.u32 @!p0 $0xF7A, s2;
	p2 =	seq.s32 @!p0 s5, $0x0  }
0x1f: {  	s9 =	smul.u32 $0xF7A, s1;
	s8 =	simm.s32 @!p0 $0x1BF5;
	p2 =	por !p2, p0  }
0x20: {  	[sflag:s8] =	ssyncset.s32 @!p0 $0xFFFFF086;
	s6 =	sadd.s32 @!p0 s3, s7;
	s7 =	simm.s32 @!p0 $0x108  }
0x21: {  	s3 =	sadd.s32 s3, s9;
	s6 =	sadd.s32 @!p0 $0x88, s6;
	s7 =	simm.s32 @p2 $0x1082  }
0x22: {  	[simem:s7], [sflag:s8] =	dma.local @!p0 [hbm:s6], $0xF7A  }
0x23: {  	s9 =	sor.u32 $0xD0000000, s2;
	s6 =	simm.s32 $0x108;
	_ =	swait.ge @!p0 [sflag:s8], $0x0  }
0x24: {  	s3 =	sadd.s32 $0x88, s3;
	s6 =	simm.s32 @!p1 $0x1082;
	[sflag:s4] =	ssyncset.s32 $0xFFFFF086  }
0x25: {  	[simem:s6], [sflag:s4] =	dma.local [hbm:s3], $0xF7A  }
0x26: {  	[smem:$0x3F97] =	sst s1;
	(tag) =	ssettag s2;
	_ =	strace s9  }
0x27: {  	s1 =	sld [smem:$0x3FA7]  }
0x28: {  	s2 =	sld [smem:$0x3FA8]  }
0x29: {  	s4 =	sld [smem:$0x3FAA]  }
0x2a: {  	p0 =	seq.s32 s5, $0x0;
	s5 =	sld [smem:$0x3FAB]  }
0x2b: {  	s6 =	sld [smem:$0x3FAC]  }
0x2c: {  	s7 =	sld [smem:$0x3FAD]  }
0x2d: {  	s3 =	simm.s32 $0x108;
	s8 =	sld [smem:$0x3FAE]  }
0x2e: {  	s3 =	simm.s32 @!p0 $0x1082;
	s9 =	sld [smem:$0x3FAF]  }
0x2f: {  	lr =	sadd.s32 s0, s3;
	s0 =	sld [smem:$0x3FA6]  }
0x30: {  	s3 =	sld [smem:$0x3FA9]  }
0x31: {  	[smem:$0x3FB2] =	sst s10  }
0x32: {  	s10 =	sld [smem:$0x3FB0];
	_ =	sdelay $0x3  }
0x33: {  	p0 =	seq.s32 s10, $0x1;
	s10 =	sld [smem:$0x3FB2];
	_ =	sdelay $0x3  }
0x34: {  	[smem:$0x3FB2] =	sst s10  }
0x35: {  	s10 =	sld [smem:$0x3FB1];
	_ =	sdelay $0x3  }
0x36: {  	p1 =	seq.s32 s10, $0x1;
	s10 =	sld [smem:$0x3FB2];
	_ =	sdelay $0x3  }
0x37: {  	[smem:$0x3FB2] =	sst s10  }
0x38: {  	s10 =	sld [smem:$0x3FB3]  }
0x39: {  	_ = 	snop;
	(pc) =	sbr.ind lr, $3  }
0x3a: {  	_ = 	snop  }
0x3b: {  	_ = 	snop  }
0x3c: {  	p2 =	seq.s32 s10, $0x1;
	s10 =	sld [smem:$0x3FB2]  }
0x3d: {  	_ =	shalt  }
0x3e: {  	_ =	shalt  }
0x3f: {  	_ =	shalt  }
0x40: {  	_ =	shalt  }
0x41: {  	_ =	shalt  }
0x42: {  	_ =	shalt  }
0x43: {  	_ =	shalt  }
0x44: {  	_ =	shalt  }
0x45: {  	_ =	shalt  }
0x46: {  	_ =	shalt  }
0x47: {  	_ =	shalt  }
0x48: {  	_ =	shalt  }
0x49: {  	_ =	shalt  }
0x4a: {  	_ =	shalt  }
0x4b: {  	_ =	shalt  }
0x4c: {  	_ =	shalt  }
0x4d: {  	_ =	shalt  }
0x4e: {  	_ =	shalt  }
0x4f: {  	_ =	shalt  }
0x50: {  	_ =	shalt  }
0x51: {  	_ =	shalt  }
0x52: {  	_ =	shalt  }
0x53: {  	_ =	shalt  }
0x54: {  	_ =	shalt  }
0x55: {  	_ =	shalt  }
0x56: {  	_ =	shalt  }
0x57: {  	_ =	shalt  }
0x58: {  	_ =	shalt  }
0x59: {  	_ =	shalt  }
0x5a: {  	_ =	shalt  }
0x5b: {  	_ =	shalt  }
0x5c: {  	_ =	shalt  }
0x5d: {  	_ =	shalt  }
0x5e: {  	_ =	shalt  }
0x5f: {  	_ =	shalt  }
0x60: {  	_ =	shalt  }
0x61: {  	_ =	shalt  }
0x62: {  	_ =	shalt  }
0x63: {  	_ =	shalt  }
0x64: {  	_ =	shalt  }
0x65: {  	_ =	shalt  }
0x66: {  	_ =	shalt  }
0x67: {  	_ =	shalt  }
0x68: {  	_ =	shalt  }
0x69: {  	_ =	shalt  }
0x6a: {  	_ =	shalt  }
0x6b: {  	_ =	shalt  }
0x6c: {  	_ =	shalt  }
0x6d: {  	_ =	shalt  }
0x6e: {  	_ =	shalt  }
0x6f: {  	_ =	shalt  }
0x70: {  	_ =	shalt  }
0x71: {  	_ =	shalt  }
0x72: {  	_ =	shalt  }
0x73: {  	_ =	shalt  }
0x74: {  	_ =	shalt  }
0x75: {  	_ =	shalt  }
0x76: {  	_ =	shalt  }
0x77: {  	_ =	shalt  }
0x78: {  	_ =	shalt  }
0x79: {  	_ =	shalt  }
0x7a: {  	_ =	shalt  }
0x7b: {  	_ =	shalt  }
0x7c: {  	_ =	shalt  }
0x7d: {  	_ =	shalt  }
0x7e: {  	_ =	shalt  }
0x7f: {  	_ =	shalt  }
0x80: {  	_ =	shalt  }
0x81: {  	_ =	shalt  }
0x82: {  	_ =	shalt  }
0x83: {  	_ =	shalt  }
0x84: {  	_ =	shalt  }
0x85: {  	_ =	shalt  }
0x86: {  	_ =	shalt  }
0x87: {  	_ =	shalt  }
.Lfunc_end0:
.L_simem_size_0:
called_computation_lowered:
.L_overlay_start_0:
0x88: {  	s2 =	sld [smem:$0x3FD9]  }
0x89: {  	s3 =	sld [smem:$0x3FFE];
	_ =	sdelay $0x1  }
0x8a: {  	s1 =	srdreg.scid  }
0x8b: {  	s0 =	sand.u32 $0x1, s1  }
0x8c: {  	s16 =	sshll.u32 s0, $0xA;
	s2 =	sadd.s32 s3, s2  }
0x8d: {  	s2 =	sadd.s32 s2, s16  }
0x8e: {  	[smem:$0x3FBE] =	sst s2  }
0x8f: {  	_ = 	snop  }
0x90: {  	(tm) =	ssettm $0x1  }
0x91: {  	s17 =	sld [smem:$0x3FFB];
	_ =	sdelay $0x3  }
0x92: {  	_ =	strace s17  }
0x93: {  	s2 =	sld [smem:$0x3FFC];
	_ =	sdelay $0x3  }
0x94: {  	_ =	strace s2  }
0x95: {  	s2 =	sld [smem:$0x3FFD];
	_ =	sdelay $0x3  }
0x96: {  	_ =	strace s2  }
0x97: {  	_ =	strace $0x8FFFFFFF  }
0x98: {  	s18 =	sld [smem:$0x3FDB];
	_ =	sdelay $0x1  }
0x99: {  	s19 =	simm.s32 $_scs_section_size  }
0x9a: {  	s4 =	simm.s32 $_size__tile_overlayer_lowered;
	s5 =	simm.s32 $_tile_overlayer_lowered  }
0x9b: {  	s22 =	simm.s32 $0x1BFF;
	s21 =	sshll.u32 s5, $0x1;
	s2 =	sadd.s32 s19, s18  }
0x9c: {  	s6 =	simm.s32 $0x0;
	s20 =	sshll.u32 s4, $0x1;
	s4 =	sadd.s32 s21, s2  }
0x9d: {  	[timem:s6], [sflag:s22] =	dma.local [hbm:s4], s20  }
0x9e: {  	_ =	swait.ge [sflag:s22], s20  }
0x9f: {  	s3 =	ssub.s32 $0x0, s20;
	[sflag:s22] =	ssyncset.done $0x0  }
0xa0: {  	[sflag:s22] =	ssyncadd.s32 s3;
	_ =	sdelay $0x1  }
0xa1: {  	s23 =	simm.s32 $0x1B8B  }
0xa2: {  	_ =	swait.ge [sflag:s23], $0x1  }
0xa3: {  	[sflag:s23] =	ssyncset.done $0x0  }
0xa4: {  	s25 =	simm.s32 $0x1B8E;
	s24 =	sld [smem:$0x3FFE];
	[sflag:s23] =	ssyncadd.s32 $0xFFFFFFFF  }
0xa5: {  	s26 =	simm.s32 $execute0_lowered;
	[smem:$0x3FD2] =	sst s25  }
0xa6: {  	s4 =	sshll.u32 s26, $0x1;
	_ =	strace $0x80000046;
	[dreg:$0x1] =	wrdreg $0xFFFFFFFF  }
0xa7: {  	s28 =	simm.s32 $_size_execute0_lowered;
	s2 =	sadd.s32 s2, s4;
	[dreg:$0x0] =	wrdreg $0x0  }
0xa8: {  	s4 =	sshll.u32 s28, $0x1;
	[dreg:$0x2] =	wrdreg s2  }
0xa9: {  	[dreg:$0x3] =	wrdreg s4  }
0xaa: {  	[dreg:$0x4] =	wrdreg $0xC0  }
0xab: {  	_ =	task [dreg:s6], $0x5FFFF  }
0xac: {  	[dreg:$0x1] =	wrdreg $0xFFFFFFFF  }
0xad: {  	[dreg:$0x0] =	wrdreg $0x60  }
0xae: {  	[dreg:$0x2] =	wrdreg s24  }
0xaf: {  	[dreg:$0x3] =	wrdreg $0x9  }
0xb0: {  	_ =	task.clear_ibuf [dreg:s6], $0x4FFFF;
	_ =	strace $0x90000046  }
0xb1: {  	s29 =	simm.s32 $0x9;
	_ =	strace $0x80000048  }
0xb2: {  	_ =	swait.ge [sflag:s29], $0x1  }
0xb3: {  	[sflag:s29] =	ssyncadd.s32 $0xFFFFFFFF  }
0xb4: {  	_ =	strace $0x90000048  }
0xb5: {  	_ =	sfence  }
0xb6: {  	s30 =	sld [smem:$0x0];
	_ =	sdelay $0x2  }
0xb7: {  	s31 =	sshll.u32 s1, $0xD;
	s1 =	sshrl.u32 s1, $0x2  }
0xb8: {  	s3 =	sand.u32 $0x4000, s31;
	s1 =	sadd.s32 s1, s30  }
0xb9: {  	s0 =	sor.u32 s3, s0;
	s1 =	sshll.u32 s1, $0x11  }
0xba: {  	s0 =	sor.u32 s1, s0  }
0xbb: {  	s0 =	sadd.s32 $0x8F2B, s0  }
0xbc: {  	[sflag:s0] =	ssyncadd.remote.s32 $0x1  }
0xbd: {  	_ =	sfence.sel $0xFFFF  }
0xbe: {  	[dreg:$0x0] =	wrdreg $0xFFFFFFFF;
	(pc) =	sbr.abs _section_cstart, $3  }
0xbf: {  	[dreg:$0x1] =	wrdreg $0xFFFFFFFF  }
0xc0: {  	_ =	task.clear_ibuf [dreg:s6], $0x2FFFF;
	_ =	strace $0x9FFFFFFF  }
0xc1: {  	(tm) =	ssettm $0x7FFFFFFF  }
tec
execute0_lowered:
.L_overlay_start_1:
0x0: {  	(tag) =	ssettag $0x1  }
0x1: {  	s0 =	srdreg.scid;
	s1 =	stileid.u32  }
0x2: {  	s0 =	sand.u32 $0x1, s0;
	s1 =	sshll.u32 s1, $0x1  }
0x3: {  	s1 =	sor.u32 s0, s1  }
0x4: {  	s1 =	smul.u32 $0xA0, s1  }
0x5: {  	s3 =	rddreg [dreg:$0x0]  }
0x6: {  	s2 =	simm.s32 $0x0;
	s4 =	sadd.s32 $0x89800, s3;
	s1 =	sshrl.u32 s1, $0x3  }
0x7: {  	[smem:$0x7FF] =	sst s2;
	s6 =	sor.u32 $0x2, s1;
	s12 =	sadd.s32 s4, s1  }
0x8: {  	_ =	strace $0x80000047;
	s4 =	sadd.s32 s4, s6;
	[dreg:$0x14] =	wrdreg s12  }
0x9: {  	s11 =	sadd.s32 $0x4, s12;
	[dreg:$0x2] =	wrdreg s4  }
0xa: {  	s5 =	sadd.s32 $0xB1A00, s3;
	s15 =	sadd.s32 $0x6, s12;
	[dreg:$0x3] =	wrdreg s11  }
0xb: {  	s7 =	sadd.s32 $0x1600, s3;
	s17 =	sadd.s32 $0x8, s12;
	[dreg:$0x5] =	wrdreg s15  }
0xc: {  	s8 =	sadd.s32 $0x1700, s3;
	s19 =	sadd.s32 $0xA, s12;
	[dreg:$0x7] =	wrdreg s17  }
0xd: {  	s9 =	sadd.s32 $0x1800, s3;
	s22 =	sadd.s32 $0xC, s12;
	[dreg:$0x9] =	wrdreg s19  }
0xe: {  	s10 =	sadd.s32 $0x1900, s3;
	s24 =	sadd.s32 $0xE, s12;
	[dreg:$0xb] =	wrdreg s22  }
0xf: {  	s1 =	smul.u32 $0x880, s1;
	s26 =	sadd.s32 $0x10, s12;
	[dreg:$0xd] =	wrdreg s24  }
0x10: {  	s6 =	smul.u32 $0x880, s6;
	s29 =	sadd.s32 $0x12, s12;
	[dreg:$0xf] =	wrdreg s26  }
0x11: {  	s0 =	ssub.s32 $0x2, s0;
	s14 =	sadd.s32 s5, s1;
	[dreg:$0x11] =	wrdreg s29  }
0x12: {  	s20 =	sshrl.u32 s0, $0x1;
	s13 =	sadd.s32 s5, s6;
	[dreg:$0x15] =	wrdreg s14  }
0x13: {  	s0 =	ssub.s32 s0, s20;
	s16 =	sadd.s32 $0x2200, s14;
	[dreg:$0x4] =	wrdreg s13  }
0x14: {  	s12 =	sadd.s32 $0x1B00, s3;
	s18 =	sadd.s32 $0x3300, s14;
	[dreg:$0x6] =	wrdreg s16  }
0x15: {  	s11 =	sadd.s32 $0x1A00, s3;
	s21 =	sadd.s32 $0x4400, s14;
	[dreg:$0x8] =	wrdreg s18  }
0x16: {  	s15 =	simm.s32 $0x3;
	s23 =	sadd.s32 $0x5500, s14;
	[dreg:$0xa] =	wrdreg s21  }
0x17: {  	s19 =	simm.s32 $0x2;
	s25 =	sadd.s32 $0x6600, s14;
	[dreg:$0xc] =	wrdreg s23  }
0x18: {  	s5 =	sadd.s32 $0x1400, s3;
	s28 =	sadd.s32 $0x7700, s14;
	[dreg:$0xe] =	wrdreg s25  }
0x19: {  	v2 =	vlaneseq.u32;
	s6 =	sadd.s32 $0x1500, s3;
	s30 =	sadd.s32 $0x8800, s14;
	[dreg:$0x10] =	wrdreg s28  }
0x1a: {  	vm0 =	vmmov $0xffff;
	vm1 =	vmmov $0xff;
	v1 =	vshrl.u32 v2, $0x3;
	s31 =	sadd.s32 $0x9900, s14;
	s14 =	smax.u32 s0, $0x1;
	[dreg:$0x12] =	wrdreg s30  }
0x1b: {  	v0 =	vand.u32 $0x7, v2;
	v2 =	vor.u32 $0x8, v2;
	v1 =	vmul.u32 $0x8, v1;
	s13 =	sadd.s32 $0x1C00, s3;
	[dreg:$0x13] =	wrdreg s31;
	s18 =	simm.s32 $0x1  }
.LBB2_1:
0x1c: {  	s20 =	rddreg [dreg:$0x14]  }
0x1d: {  	[tilespmem:s2], [sflag:$0x3] =	stream.linear.gather [hbm4b:s20+s2], $0x10, $0x38;
	[tilespmem:$0x11100] =	vst v63  }
0x1e: {  	_ =	swait.ge [sflag:s15], $0x10  }
0x1f: {  	[sflag:s15] =	ssyncset.done $0x0  }
0x20: {  	[sflag:s15] =	ssyncadd.s32 $0xFFFFFFF0  }
0x21: {  	v3 =	vld [tilespmem:$0x0];
	_ =	sdelay $0x4  }
0x22: {  	v4 =	vshrl.u32 v3, $0x3  }
0x23: {  	v4 =	vmul.u32 $0x88, v4  }
0x24: {  	v3 =	vand.u32 $0x7, v3  }
0x25: {  	v3 =	vor.u32 v3, v4  }
0x26: {  	v4 =	vperm.xlane v3, v0;
	_ =	sdelay $0x1  }
0x27: {  	v4 =	vadd.s32 v1, v4;
	_ =	sdelay $0x3  }
0x28: {  	s0 =	simm.s32 $0x100  }
0x29: {  	[tilespmem:s0], [sflag:$0x1] =	stream.indirect_vreg.gather [hbm4b:s5+s2], $0x80, v4, vm0, $0xb8;
	[tilespmem:$0x11100] =	vst v63  }
0x2a: {  	s25 =	simm.s32 $0x900  }
0x2b: {  	[tilespmem:s25], [sflag:$0x1] =	stream.indirect_vreg.gather [hbm4b:s6+s2], $0x80, v4, vm0, $0xb8;
	[tilespmem:$0x11100] =	vst v63  }
0x2c: {  	s26 =	simm.s32 $0x1100  }
0x2d: {  	[tilespmem:s26], [sflag:$0x1] =	stream.indirect_vreg.gather [hbm4b:s7+s2], $0x80, v4, vm0, $0xb8;
	[tilespmem:$0x11100] =	vst v63  }
0x2e: {  	s28 =	simm.s32 $0x1900  }
0x2f: {  	[tilespmem:s28], [sflag:$0x1] =	stream.indirect_vreg.gather [hbm4b:s8+s2], $0x80, v4, vm0, $0xb8;
	[tilespmem:$0x11100] =	vst v63  }
0x30: {  	s29 =	simm.s32 $0x2100  }
0x31: {  	[tilespmem:s29], [sflag:$0x1] =	stream.indirect_vreg.gather [hbm4b:s9+s2], $0x80, v4, vm0, $0xb8;
	[tilespmem:$0x11100] =	vst v63  }
0x32: {  	s30 =	simm.s32 $0x2900  }
0x33: {  	[tilespmem:s30], [sflag:$0x1] =	stream.indirect_vreg.gather [hbm4b:s10+s2], $0x80, v4, vm0, $0xb8;
	[tilespmem:$0x11100] =	vst v63  }
0x34: {  	s31 =	simm.s32 $0x3100;
	v3 =	vperm.xlane v3, v2  }
0x35: {  	[tilespmem:s31], [sflag:$0x1] =	stream.indirect_vreg.gather [hbm4b:s11+s2], $0x80, v4, vm0, $0xb8;
	[tilespmem:$0x11100] =	vst v63  }
0x36: {  	s1 =	simm.s32 $0x3900;
	v3 =	vadd.s32 v1, v3  }
0x37: {  	[tilespmem:s1], [sflag:$0x1] =	stream.indirect_vreg.gather [hbm4b:s12+s2], $0x80, v4, vm0, $0xb8;
	[tilespmem:$0x11100] =	vst v63  }
0x38: {  	s3 =	simm.s32 $0x4100  }
0x39: {  	[tilespmem:s3], [sflag:$0x1] =	stream.indirect_vreg.gather [hbm4b:s13+s2], $0x80, v4, vm1, $0xb8;
	[tilespmem:$0x11100] =	vst v63  }
0x3a: {  	s4 =	simm.s32 $0x4500  }
0x3b: {  	[tilespmem:s4], [sflag:$0x1] =	stream.indirect_vreg.gather [hbm4b:s5+s2], $0x80, v3, vm0, $0xb8;
	[tilespmem:$0x11100] =	vst v63  }
0x3c: {  	s16 =	simm.s32 $0x4D00  }
0x3d: {  	[tilespmem:s16], [sflag:$0x1] =	stream.indirect_vreg.gather [hbm4b:s6+s2], $0x80, v3, vm0, $0xb8;
	[tilespmem:$0x11100] =	vst v63  }
0x3e: {  	s17 =	simm.s32 $0x5500  }
0x3f: {  	[tilespmem:s17], [sflag:$0x1] =	stream.indirect_vreg.gather [hbm4b:s7+s2], $0x80, v3, vm0, $0xb8;
	[tilespmem:$0x11100] =	vst v63  }
0x40: {  	s20 =	simm.s32 $0x5D00  }
0x41: {  	[tilespmem:s20], [sflag:$0x1] =	stream.indirect_vreg.gather [hbm4b:s8+s2], $0x80, v3, vm0, $0xb8;
	[tilespmem:$0x11100] =	vst v63  }
0x42: {  	s23 =	simm.s32 $0x6500  }
0x43: {  	[tilespmem:s23], [sflag:$0x1] =	stream.indirect_vreg.gather [hbm4b:s9+s2], $0x80, v3, vm0, $0xb8;
	[tilespmem:$0x11100] =	vst v63  }
0x44: {  	s24 =	simm.s32 $0x6D00  }
0x45: {  	[tilespmem:s24], [sflag:$0x1] =	stream.indirect_vreg.gather [hbm4b:s10+s2], $0x80, v3, vm0, $0xb8;
	[tilespmem:$0x11100] =	vst v63  }
0x46: {  	s25 =	simm.s32 $0x7500  }
0x47: {  	[tilespmem:s25], [sflag:$0x1] =	stream.indirect_vreg.gather [hbm4b:s11+s2], $0x80, v3, vm0, $0xb8;
	[tilespmem:$0x11100] =	vst v63  }
0x48: {  	s26 =	simm.s32 $0x7D00  }
0x49: {  	[tilespmem:s26], [sflag:$0x1] =	stream.indirect_vreg.gather [hbm4b:s12+s2], $0x80, v3, vm0, $0xb8;
	[tilespmem:$0x11100] =	vst v63  }
0x4a: {  	s29 =	simm.s32 $0x8500  }
0x4b: {  	[tilespmem:s29], [sflag:$0x1] =	stream.indirect_vreg.gather [hbm4b:s13+s2], $0x80, v3, vm1, $0xb8;
	[tilespmem:$0x11100] =	vst v63  }
0x4c: {  	s28 =	rddreg [dreg:$0x2];
	s1 =	simm.s32 $0x80  }
0x4d: {  	[tilespmem:s1], [sflag:$0x3] =	stream.linear.gather [hbm4b:s28+s2], $0x10, $0x38;
	[tilespmem:$0x11100] =	vst v63  }
0x4e: {  	_ =	swait.ge [sflag:s15], $0x10  }
0x4f: {  	[sflag:s15] =	ssyncset.done $0x0  }
0x50: {  	[sflag:s15] =	ssyncadd.s32 $0xFFFFFFF0  }
0x51: {  	v3 =	vld [tilespmem:$0x80];
	_ =	sdelay $0x4  }
0x52: {  	v55 =	vshrl.u32 v3, $0x3  }
0x53: {  	v4 =	vmul.u32 $0x88, v55  }
0x54: {  	v3 =	vand.u32 $0x7, v3  }
0x55: {  	v3 =	vor.u32 v3, v4  }
0x56: {  	v4 =	vperm.xlane v3, v0;
	_ =	sdelay $0x1  }
0x57: {  	v4 =	vadd.s32 v1, v4;
	_ =	sdelay $0x3  }
0x58: {  	s1 =	simm.s32 $0x8900  }
0x59: {  	[tilespmem:s1], [sflag:$0x2] =	stream.indirect_vreg.gather [hbm4b:s5+s2], $0x80, v4, vm0, $0xb8;
	[tilespmem:$0x11100] =	vst v63  }
0x5a: {  	s30 =	simm.s32 $0x9100  }
0x5b: {  	[tilespmem:s30], [sflag:$0x2] =	stream.indirect_vreg.gather [hbm4b:s6+s2], $0x80, v4, vm0, $0xb8;
	[tilespmem:$0x11100] =	vst v63  }
0x5c: {  	s31 =	simm.s32 $0x9900  }
0x5d: {  	[tilespmem:s31], [sflag:$0x2] =	stream.indirect_vreg.gather [hbm4b:s7+s2], $0x80, v4, vm0, $0xb8;
	[tilespmem:$0x11100] =	vst v63  }
0x5e: {  	s0 =	simm.s32 $0xA100  }
0x5f: {  	[tilespmem:s0], [sflag:$0x2] =	stream.indirect_vreg.gather [hbm4b:s8+s2], $0x80, v4, vm0, $0xb8;
	[tilespmem:$0x11100] =	vst v63  }
0x60: {  	s3 =	simm.s32 $0xA900  }
0x61: {  	[tilespmem:s3], [sflag:$0x2] =	stream.indirect_vreg.gather [hbm4b:s9+s2], $0x80, v4, vm0, $0xb8;
	[tilespmem:$0x11100] =	vst v63  }
0x62: {  	s4 =	simm.s32 $0xB100  }
0x63: {  	[tilespmem:s4], [sflag:$0x2] =	stream.indirect_vreg.gather [hbm4b:s10+s2], $0x80, v4, vm0, $0xb8;
	[tilespmem:$0x11100] =	vst v63  }
0x64: {  	s16 =	simm.s32 $0xB900;
	v3 =	vperm.xlane v3, v2  }
0x65: {  	[tilespmem:s16], [sflag:$0x2] =	stream.indirect_vreg.gather [hbm4b:s11+s2], $0x80, v4, vm0, $0xb8;
	[tilespmem:$0x11100] =	vst v63  }
0x66: {  	s17 =	simm.s32 $0xC100;
	v3 =	vadd.s32 v1, v3  }
0x67: {  	[tilespmem:s17], [sflag:$0x2] =	stream.indirect_vreg.gather [hbm4b:s12+s2], $0x80, v4, vm0, $0xb8;
	[tilespmem:$0x11100] =	vst v63  }
0x68: {  	s23 =	simm.s32 $0xC900  }
0x69: {  	[tilespmem:s23], [sflag:$0x2] =	stream.indirect_vreg.gather [hbm4b:s13+s2], $0x80, v4, vm1, $0xb8;
	[tilespmem:$0x11100] =	vst v63  }
0x6a: {  	s24 =	simm.s32 $0xCD00  }
0x6b: {  	[tilespmem:s24], [sflag:$0x2] =	stream.indirect_vreg.gather [hbm4b:s5+s2], $0x80, v3, vm0, $0xb8;
	[tilespmem:$0x11100] =	vst v63  }
0x6c: {  	s25 =	simm.s32 $0xD500  }
0x6d: {  	[tilespmem:s25], [sflag:$0x2] =	stream.indirect_vreg.gather [hbm4b:s6+s2], $0x80, v3, vm0, $0xb8;
	[tilespmem:$0x11100] =	vst v63  }
0x6e: {  	s26 =	simm.s32 $0xDD00  }
0x6f: {  	[tilespmem:s26], [sflag:$0x2] =	stream.indirect_vreg.gather [hbm4b:s7+s2], $0x80, v3, vm0, $0xb8;
	[tilespmem:$0x11100] =	vst v63  }
0x70: {  	s28 =	simm.s32 $0xE500  }
0x71: {  	[tilespmem:s28], [sflag:$0x2] =	stream.indirect_vreg.gather [hbm4b:s8+s2], $0x80, v3, vm0, $0xb8;
	[tilespmem:$0x11100] =	vst v63  }
0x72: {  	s29 =	simm.s32 $0xED00  }
0x73: {  	[tilespmem:s29], [sflag:$0x2] =	stream.indirect_vreg.gather [hbm4b:s9+s2], $0x80, v3, vm0, $0xb8;
	[tilespmem:$0x11100] =	vst v63  }
0x74: {  	s30 =	simm.s32 $0xF500  }
0x75: {  	[tilespmem:s30], [sflag:$0x2] =	stream.indirect_vreg.gather [hbm4b:s10+s2], $0x80, v3, vm0, $0xb8;
	[tilespmem:$0x11100] =	vst v63  }
0x76: {  	s31 =	simm.s32 $0xFD00  }
0x77: {  	[tilespmem:s31], [sflag:$0x2] =	stream.indirect_vreg.gather [hbm4b:s11+s2], $0x80, v3, vm0, $0xb8;
	[tilespmem:$0x11100] =	vst v63  }
0x78: {  	s0 =	simm.s32 $0x10500  }
0x79: {  	[tilespmem:s0], [sflag:$0x2] =	stream.indirect_vreg.gather [hbm4b:s12+s2], $0x80, v3, vm0, $0xb8;
	[tilespmem:$0x11100] =	vst v63  }
0x7a: {  	s3 =	simm.s32 $0x10D00  }
0x7b: {  	[tilespmem:s3], [sflag:$0x2] =	stream.indirect_vreg.gather [hbm4b:s13+s2], $0x80, v3, vm1, $0xb8;
	[tilespmem:$0x11100] =	vst v63  }
0x7c: {  	_ =	swait.ge [sflag:s18], $0x8800  }
0x7d: {  	[sflag:s18] =	ssyncset.done $0x0  }
0x7e: {  	s16 =	simm.s32 $0x100;
	s4 =	rddreg [dreg:$0x15];
	[sflag:s18] =	ssyncadd.s32 $0xFFFF7800  }
0x7f: {  	[hbm4b:s4+s2] =	stream.linear.scatter [tilespmem:s16], [sflag:$0x3], $0x8800, $0x38;
	[tilespmem:$0x11100] =	vst v63  }
0x80: {  	_ =	swait.ge [sflag:s15], $0x8800  }
0x81: {  	[sflag:s15] =	ssyncset.done $0x0  }
0x82: {  	s17 =	rddreg [dreg:$0x3];
	[sflag:s15] =	ssyncadd.s32 $0xFFFF7800  }
0x83: {  	[tilespmem:s2], [sflag:$0x3] =	stream.linear.gather [hbm4b:s17+s2], $0x10, $0x38;
	[tilespmem:$0x11100] =	vst v63  }
0x84: {  	_ =	swait.ge [sflag:s15], $0x10  }
0x85: {  	[sflag:s15] =	ssyncset.done $0x0  }
0x86: {  	[sflag:s15] =	ssyncadd.s32 $0xFFFFFFF0  }
0x87: {  	v3 =	vld [tilespmem:$0x0];
	_ =	sdelay $0x4  }
0x88: {  	v56 =	vshrl.u32 v3, $0x3  }
0x89: {  	v4 =	vmul.u32 $0x88, v56  }
0x8a: {  	v3 =	vand.u32 $0x7, v3  }
0x8b: {  	v3 =	vor.u32 v3, v4  }
0x8c: {  	v4 =	vperm.xlane v3, v0;
	_ =	sdelay $0x1  }
0x8d: {  	v4 =	vadd.s32 v1, v4;
	_ =	sdelay $0x4  }
0x8e: {  	[tilespmem:s16], [sflag:$0x1] =	stream.indirect_vreg.gather [hbm4b:s5+s2], $0x80, v4, vm0, $0xb8;
	[tilespmem:$0x11100] =	vst v63  }
0x8f: {  	s17 =	simm.s32 $0x900  }
0x90: {  	[tilespmem:s17], [sflag:$0x1] =	stream.indirect_vreg.gather [hbm4b:s6+s2], $0x80, v4, vm0, $0xb8;
	[tilespmem:$0x11100] =	vst v63  }
0x91: {  	s3 =	simm.s32 $0x1100  }
0x92: {  	[tilespmem:s3], [sflag:$0x1] =	stream.indirect_vreg.gather [hbm4b:s7+s2], $0x80, v4, vm0, $0xb8;
	[tilespmem:$0x11100] =	vst v63  }
0x93: {  	s4 =	simm.s32 $0x1900  }
0x94: {  	[tilespmem:s4], [sflag:$0x1] =	stream.indirect_vreg.gather [hbm4b:s8+s2], $0x80, v4, vm0, $0xb8;
	[tilespmem:$0x11100] =	vst v63  }
0x95: {  	s16 =	simm.s32 $0x2100  }
0x96: {  	[tilespmem:s16], [sflag:$0x1] =	stream.indirect_vreg.gather [hbm4b:s9+s2], $0x80, v4, vm0, $0xb8;
	[tilespmem:$0x11100] =	vst v63  }
0x97: {  	s21 =	simm.s32 $0x2900  }
0x98: {  	[tilespmem:s21], [sflag:$0x1] =	stream.indirect_vreg.gather [hbm4b:s10+s2], $0x80, v4, vm0, $0xb8;
	[tilespmem:$0x11100] =	vst v63  }
0x99: {  	s22 =	simm.s32 $0x3100;
	v3 =	vperm.xlane v3, v2  }
0x9a: {  	[tilespmem:s22], [sflag:$0x1] =	stream.indirect_vreg.gather [hbm4b:s11+s2], $0x80, v4, vm0, $0xb8;
	[tilespmem:$0x11100] =	vst v63  }
0x9b: {  	s24 =	simm.s32 $0x3900;
	v3 =	vadd.s32 v1, v3  }
0x9c: {  	[tilespmem:s24], [sflag:$0x1] =	stream.indirect_vreg.gather [hbm4b:s12+s2], $0x80, v4, vm0, $0xb8;
	[tilespmem:$0x11100] =	vst v63  }
0x9d: {  	s25 =	simm.s32 $0x4100  }
0x9e: {  	[tilespmem:s25], [sflag:$0x1] =	stream.indirect_vreg.gather [hbm4b:s13+s2], $0x80, v4, vm1, $0xb8;
	[tilespmem:$0x11100] =	vst v63  }
0x9f: {  	s26 =	simm.s32 $0x4500  }
0xa0: {  	[tilespmem:s26], [sflag:$0x1] =	stream.indirect_vreg.gather [hbm4b:s5+s2], $0x80, v3, vm0, $0xb8;
	[tilespmem:$0x11100] =	vst v63  }
0xa1: {  	s28 =	simm.s32 $0x4D00  }
0xa2: {  	[tilespmem:s28], [sflag:$0x1] =	stream.indirect_vreg.gather [hbm4b:s6+s2], $0x80, v3, vm0, $0xb8;
	[tilespmem:$0x11100] =	vst v63  }
0xa3: {  	s29 =	simm.s32 $0x5500  }
0xa4: {  	[tilespmem:s29], [sflag:$0x1] =	stream.indirect_vreg.gather [hbm4b:s7+s2], $0x80, v3, vm0, $0xb8;
	[tilespmem:$0x11100] =	vst v63  }
0xa5: {  	s30 =	simm.s32 $0x5D00  }
0xa6: {  	[tilespmem:s30], [sflag:$0x1] =	stream.indirect_vreg.gather [hbm4b:s8+s2], $0x80, v3, vm0, $0xb8;
	[tilespmem:$0x11100] =	vst v63  }
0xa7: {  	s31 =	simm.s32 $0x6500  }
0xa8: {  	[tilespmem:s31], [sflag:$0x1] =	stream.indirect_vreg.gather [hbm4b:s9+s2], $0x80, v3, vm0, $0xb8;
	[tilespmem:$0x11100] =	vst v63  }
0xa9: {  	s21 =	simm.s32 $0x6D00  }
0xaa: {  	[tilespmem:s21], [sflag:$0x1] =	stream.indirect_vreg.gather [hbm4b:s10+s2], $0x80, v3, vm0, $0xb8;
	[tilespmem:$0x11100] =	vst v63  }
0xab: {  	s22 =	simm.s32 $0x7500  }
0xac: {  	[tilespmem:s22], [sflag:$0x1] =	stream.indirect_vreg.gather [hbm4b:s11+s2], $0x80, v3, vm0, $0xb8;
	[tilespmem:$0x11100] =	vst v63  }
0xad: {  	s23 =	simm.s32 $0x7D00  }
0xae: {  	[tilespmem:s23], [sflag:$0x1] =	stream.indirect_vreg.gather [hbm4b:s12+s2], $0x80, v3, vm0, $0xb8;
	[tilespmem:$0x11100] =	vst v63  }
0xaf: {  	s20 =	simm.s32 $0x8500  }
0xb0: {  	[tilespmem:s20], [sflag:$0x1] =	stream.indirect_vreg.gather [hbm4b:s13+s2], $0x80, v3, vm1, $0xb8;
	[tilespmem:$0x11100] =	vst v63  }
0xb1: {  	_ =	swait.ge [sflag:s19], $0x8800  }
0xb2: {  	[sflag:s19] =	ssyncset.done $0x0  }
0xb3: {  	s0 =	rddreg [dreg:$0x4];
	[sflag:s19] =	ssyncadd.s32 $0xFFFF7800  }
0xb4: {  	[hbm4b:s0+s2] =	stream.linear.scatter [tilespmem:s1], [sflag:$0x3], $0x8800, $0x38;
	[tilespmem:$0x11100] =	vst v63  }
0xb5: {  	_ =	swait.ge [sflag:s15], $0x8800  }
0xb6: {  	[sflag:s15] =	ssyncset.done $0x0  }
0xb7: {  	s0 =	simm.s32 $0x80;
	s20 =	rddreg [dreg:$0x5];
	[sflag:s15] =	ssyncadd.s32 $0xFFFF7800  }
0xb8: {  	[tilespmem:s0], [sflag:$0x3] =	stream.linear.gather [hbm4b:s20+s2], $0x10, $0x38;
	[tilespmem:$0x11100] =	vst v63  }
0xb9: {  	_ =	swait.ge [sflag:s15], $0x10  }
0xba: {  	[sflag:s15] =	ssyncset.done $0x0  }
0xbb: {  	[sflag:s15] =	ssyncadd.s32 $0xFFFFFFF0  }
0xbc: {  	v3 =	vld [tilespmem:$0x80];
	_ =	sdelay $0x4  }
0xbd: {  	v57 =	vshrl.u32 v3, $0x3  }
0xbe: {  	v4 =	vmul.u32 $0x88, v57  }
0xbf: {  	v3 =	vand.u32 $0x7, v3  }
0xc0: {  	v3 =	vor.u32 v3, v4  }
0xc1: {  	v4 =	vperm.xlane v3, v0;
	_ =	sdelay $0x1  }
0xc2: {  	v4 =	vadd.s32 v1, v4;
	_ =	sdelay $0x4  }
0xc3: {  	[tilespmem:s1], [sflag:$0x2] =	stream.indirect_vreg.gather [hbm4b:s5+s2], $0x80, v4, vm0, $0xb8;
	[tilespmem:$0x11100] =	vst v63  }
0xc4: {  	s20 =	simm.s32 $0x9100  }
0xc5: {  	[tilespmem:s20], [sflag:$0x2] =	stream.indirect_vreg.gather [hbm4b:s6+s2], $0x80, v4, vm0, $0xb8;
	[tilespmem:$0x11100] =	vst v63  }
0xc6: {  	s20 =	simm.s32 $0x9900  }
0xc7: {  	[tilespmem:s20], [sflag:$0x2] =	stream.indirect_vreg.gather [hbm4b:s7+s2], $0x80, v4, vm0, $0xb8;
	[tilespmem:$0x11100] =	vst v63  }
0xc8: {  	s20 =	simm.s32 $0xA100  }
0xc9: {  	[tilespmem:s20], [sflag:$0x2] =	stream.indirect_vreg.gather [hbm4b:s8+s2], $0x80, v4, vm0, $0xb8;
	[tilespmem:$0x11100] =	vst v63  }
0xca: {  	s20 =	simm.s32 $0xA900  }
0xcb: {  	[tilespmem:s20], [sflag:$0x2] =	stream.indirect_vreg.gather [hbm4b:s9+s2], $0x80, v4, vm0, $0xb8;
	[tilespmem:$0x11100] =	vst v63  }
0xcc: {  	s20 =	simm.s32 $0xB100  }
0xcd: {  	[tilespmem:s20], [sflag:$0x2] =	stream.indirect_vreg.gather [hbm4b:s10+s2], $0x80, v4, vm0, $0xb8;
	[tilespmem:$0x11100] =	vst v63  }
0xce: {  	v3 =	vperm.xlane v3, v2;
	s20 =	simm.s32 $0xB900  }
0xcf: {  	[tilespmem:s20], [sflag:$0x2] =	stream.indirect_vreg.gather [hbm4b:s11+s2], $0x80, v4, vm0, $0xb8;
	[tilespmem:$0x11100] =	vst v63  }
0xd0: {  	v3 =	vadd.s32 v1, v3;
	s20 =	simm.s32 $0xC100  }
0xd1: {  	[tilespmem:s20], [sflag:$0x2] =	stream.indirect_vreg.gather [hbm4b:s12+s2], $0x80, v4, vm0, $0xb8;
	[tilespmem:$0x11100] =	vst v63  }
0xd2: {  	s20 =	simm.s32 $0xC900  }
0xd3: {  	[tilespmem:s20], [sflag:$0x2] =	stream.indirect_vreg.gather [hbm4b:s13+s2], $0x80, v4, vm1, $0xb8;
	[tilespmem:$0x11100] =	vst v63  }
0xd4: {  	s20 =	simm.s32 $0xCD00  }
0xd5: {  	[tilespmem:s20], [sflag:$0x2] =	stream.indirect_vreg.gather [hbm4b:s5+s2], $0x80, v3, vm0, $0xb8;
	[tilespmem:$0x11100] =	vst v63  }
0xd6: {  	s20 =	simm.s32 $0xD500  }
0xd7: {  	[tilespmem:s20], [sflag:$0x2] =	stream.indirect_vreg.gather [hbm4b:s6+s2], $0x80, v3, vm0, $0xb8;
	[tilespmem:$0x11100] =	vst v63  }
0xd8: {  	s20 =	simm.s32 $0xDD00  }
0xd9: {  	[tilespmem:s20], [sflag:$0x2] =	stream.indirect_vreg.gather [hbm4b:s7+s2], $0x80, v3, vm0, $0xb8;
	[tilespmem:$0x11100] =	vst v63  }
0xda: {  	s20 =	simm.s32 $0xE500  }
0xdb: {  	[tilespmem:s20], [sflag:$0x2] =	stream.indirect_vreg.gather [hbm4b:s8+s2], $0x80, v3, vm0, $0xb8;
	[tilespmem:$0x11100] =	vst v63  }
0xdc: {  	s20 =	simm.s32 $0xED00  }
0xdd: {  	[tilespmem:s20], [sflag:$0x2] =	stream.indirect_vreg.gather [hbm4b:s9+s2], $0x80, v3, vm0, $0xb8;
	[tilespmem:$0x11100] =	vst v63  }
0xde: {  	s20 =	simm.s32 $0xF500  }
0xdf: {  	[tilespmem:s20], [sflag:$0x2] =	stream.indirect_vreg.gather [hbm4b:s10+s2], $0x80, v3, vm0, $0xb8;
	[tilespmem:$0x11100] =	vst v63  }
0xe0: {  	s20 =	simm.s32 $0xFD00  }
0xe1: {  	[tilespmem:s20], [sflag:$0x2] =	stream.indirect_vreg.gather [hbm4b:s11+s2], $0x80, v3, vm0, $0xb8;
	[tilespmem:$0x11100] =	vst v63  }
0xe2: {  	s20 =	simm.s32 $0x10500  }
0xe3: {  	[tilespmem:s20], [sflag:$0x2] =	stream.indirect_vreg.gather [hbm4b:s12+s2], $0x80, v3, vm0, $0xb8;
	[tilespmem:$0x11100] =	vst v63  }
0xe4: {  	s20 =	simm.s32 $0x10D00  }
0xe5: {  	[tilespmem:s20], [sflag:$0x2] =	stream.indirect_vreg.gather [hbm4b:s13+s2], $0x80, v3, vm1, $0xb8;
	[tilespmem:$0x11100] =	vst v63  }
0xe6: {  	_ =	swait.ge [sflag:s18], $0x8800  }
0xe7: {  	[sflag:s18] =	ssyncset.done $0x0  }
0xe8: {  	s0 =	simm.s32 $0x100;
	s20 =	rddreg [dreg:$0x6];
	[sflag:s18] =	ssyncadd.s32 $0xFFFF7800  }
0xe9: {  	[hbm4b:s20+s2] =	stream.linear.scatter [tilespmem:s0], [sflag:$0x3], $0x8800, $0x38;
	[tilespmem:$0x11100] =	vst v63  }
0xea: {  	_ =	swait.ge [sflag:s15], $0x8800  }
0xeb: {  	[sflag:s15] =	ssyncset.done $0x0  }
0xec: {  	s20 =	rddreg [dreg:$0x7];
	[sflag:s15] =	ssyncadd.s32 $0xFFFF7800  }
0xed: {  	[tilespmem:s2], [sflag:$0x3] =	stream.linear.gather [hbm4b:s20+s2], $0x10, $0x38;
	[tilespmem:$0x11100] =	vst v63  }
0xee: {  	_ =	swait.ge [sflag:s15], $0x10  }
0xef: {  	[sflag:s15] =	ssyncset.done $0x0  }
0xf0: {  	[sflag:s15] =	ssyncadd.s32 $0xFFFFFFF0  }
0xf1: {  	v3 =	vld [tilespmem:$0x0];
	_ =	sdelay $0x4  }
0xf2: {  	v58 =	vshrl.u32 v3, $0x3  }
0xf3: {  	v4 =	vmul.u32 $0x88, v58  }
0xf4: {  	v3 =	vand.u32 $0x7, v3  }
0xf5: {  	v3 =	vor.u32 v3, v4  }
0xf6: {  	v4 =	vperm.xlane v3, v0;
	_ =	sdelay $0x1  }
0xf7: {  	v4 =	vadd.s32 v1, v4;
	_ =	sdelay $0x4  }
0xf8: {  	[tilespmem:s0], [sflag:$0x1] =	stream.indirect_vreg.gather [hbm4b:s5+s2], $0x80, v4, vm0, $0xb8;
	[tilespmem:$0x11100] =	vst v63  }
0xf9: {  	_ = 	snop  }
0xfa: {  	[tilespmem:s17], [sflag:$0x1] =	stream.indirect_vreg.gather [hbm4b:s6+s2], $0x80, v4, vm0, $0xb8;
	[tilespmem:$0x11100] =	vst v63  }
0xfb: {  	_ = 	snop  }
0xfc: {  	[tilespmem:s3], [sflag:$0x1] =	stream.indirect_vreg.gather [hbm4b:s7+s2], $0x80, v4, vm0, $0xb8;
	[tilespmem:$0x11100] =	vst v63  }
0xfd: {  	_ = 	snop  }
0xfe: {  	[tilespmem:s4], [sflag:$0x1] =	stream.indirect_vreg.gather [hbm4b:s8+s2], $0x80, v4, vm0, $0xb8;
	[tilespmem:$0x11100] =	vst v63  }
0xff: {  	_ = 	snop  }
0x100: {  	[tilespmem:s16], [sflag:$0x1] =	stream.indirect_vreg.gather [hbm4b:s9+s2], $0x80, v4, vm0, $0xb8;
	[tilespmem:$0x11100] =	vst v63  }
0x101: {  	s4 =	simm.s32 $0x2900  }
0x102: {  	[tilespmem:s4], [sflag:$0x1] =	stream.indirect_vreg.gather [hbm4b:s10+s2], $0x80, v4, vm0, $0xb8;
	[tilespmem:$0x11100] =	vst v63  }
0x103: {  	s20 =	simm.s32 $0x3100;
	v3 =	vperm.xlane v3, v2  }
0x104: {  	[tilespmem:s20], [sflag:$0x1] =	stream.indirect_vreg.gather [hbm4b:s11+s2], $0x80, v4, vm0, $0xb8;
	[tilespmem:$0x11100] =	vst v63  }
0x105: {  	v3 =	vadd.s32 v1, v3  }
0x106: {  	[tilespmem:s24], [sflag:$0x1] =	stream.indirect_vreg.gather [hbm4b:s12+s2], $0x80, v4, vm0, $0xb8;
	[tilespmem:$0x11100] =	vst v63  }
0x107: {  	_ = 	snop  }
0x108: {  	[tilespmem:s25], [sflag:$0x1] =	stream.indirect_vreg.gather [hbm4b:s13+s2], $0x80, v4, vm1, $0xb8;
	[tilespmem:$0x11100] =	vst v63  }
0x109: {  	_ = 	snop  }
0x10a: {  	[tilespmem:s26], [sflag:$0x1] =	stream.indirect_vreg.gather [hbm4b:s5+s2], $0x80, v3, vm0, $0xb8;
	[tilespmem:$0x11100] =	vst v63  }
0x10b: {  	_ = 	snop  }
0x10c: {  	[tilespmem:s28], [sflag:$0x1] =	stream.indirect_vreg.gather [hbm4b:s6+s2], $0x80, v3, vm0, $0xb8;
	[tilespmem:$0x11100] =	vst v63  }
0x10d: {  	_ = 	snop  }
0x10e: {  	[tilespmem:s29], [sflag:$0x1] =	stream.indirect_vreg.gather [hbm4b:s7+s2], $0x80, v3, vm0, $0xb8;
	[tilespmem:$0x11100] =	vst v63  }
0x10f: {  	_ = 	snop  }
0x110: {  	[tilespmem:s30], [sflag:$0x1] =	stream.indirect_vreg.gather [hbm4b:s8+s2], $0x80, v3, vm0, $0xb8;
	[tilespmem:$0x11100] =	vst v63  }
0x111: {  	_ = 	snop  }
0x112: {  	[tilespmem:s31], [sflag:$0x1] =	stream.indirect_vreg.gather [hbm4b:s9+s2], $0x80, v3, vm0, $0xb8;
	[tilespmem:$0x11100] =	vst v63  }
0x113: {  	_ = 	snop  }
0x114: {  	[tilespmem:s21], [sflag:$0x1] =	stream.indirect_vreg.gather [hbm4b:s10+s2], $0x80, v3, vm0, $0xb8;
	[tilespmem:$0x11100] =	vst v63  }
0x115: {  	_ = 	snop  }
0x116: {  	[tilespmem:s22], [sflag:$0x1] =	stream.indirect_vreg.gather [hbm4b:s11+s2], $0x80, v3, vm0, $0xb8;
	[tilespmem:$0x11100] =	vst v63  }
0x117: {  	_ = 	snop  }
0x118: {  	[tilespmem:s23], [sflag:$0x1] =	stream.indirect_vreg.gather [hbm4b:s12+s2], $0x80, v3, vm0, $0xb8;
	[tilespmem:$0x11100] =	vst v63  }
0x119: {  	s25 =	simm.s32 $0x8500  }
0x11a: {  	[tilespmem:s25], [sflag:$0x1] =	stream.indirect_vreg.gather [hbm4b:s13+s2], $0x80, v3, vm1, $0xb8;
	[tilespmem:$0x11100] =	vst v63  }
0x11b: {  	_ =	swait.ge [sflag:s19], $0x8800  }
0x11c: {  	[sflag:s19] =	ssyncset.done $0x0  }
0x11d: {  	s26 =	rddreg [dreg:$0x8];
	[sflag:s19] =	ssyncadd.s32 $0xFFFF7800  }
0x11e: {  	[hbm4b:s26+s2] =	stream.linear.scatter [tilespmem:s1], [sflag:$0x3], $0x8800, $0x38;
	[tilespmem:$0x11100] =	vst v63  }
0x11f: {  	_ =	swait.ge [sflag:s15], $0x8800  }
0x120: {  	[sflag:s15] =	ssyncset.done $0x0  }
0x121: {  	s29 =	simm.s32 $0x80;
	s28 =	rddreg [dreg:$0x9];
	[sflag:s15] =	ssyncadd.s32 $0xFFFF7800  }
0x122: {  	[tilespmem:s29], [sflag:$0x3] =	stream.linear.gather [hbm4b:s28+s2], $0x10, $0x38;
	[tilespmem:$0x11100] =	vst v63  }
0x123: {  	_ =	swait.ge [sflag:s15], $0x10  }
0x124: {  	[sflag:s15] =	ssyncset.done $0x0  }
0x125: {  	[sflag:s15] =	ssyncadd.s32 $0xFFFFFFF0  }
0x126: {  	v3 =	vld [tilespmem:$0x80];
	_ =	sdelay $0x4  }
0x127: {  	v59 =	vshrl.u32 v3, $0x3  }
0x128: {  	v4 =	vmul.u32 $0x88, v59  }
0x129: {  	v3 =	vand.u32 $0x7, v3  }
0x12a: {  	v3 =	vor.u32 v3, v4  }
0x12b: {  	v4 =	vperm.xlane v3, v0;
	_ =	sdelay $0x1  }
0x12c: {  	v4 =	vadd.s32 v1, v4;
	_ =	sdelay $0x4  }
0x12d: {  	[tilespmem:s1], [sflag:$0x2] =	stream.indirect_vreg.gather [hbm4b:s5+s2], $0x80, v4, vm0, $0xb8;
	[tilespmem:$0x11100] =	vst v63  }
0x12e: {  	s29 =	simm.s32 $0x9100  }
0x12f: {  	[tilespmem:s29], [sflag:$0x2] =	stream.indirect_vreg.gather [hbm4b:s6+s2], $0x80, v4, vm0, $0xb8;
	[tilespmem:$0x11100] =	vst v63  }
0x130: {  	s23 =	simm.s32 $0x9900  }
0x131: {  	[tilespmem:s23], [sflag:$0x2] =	stream.indirect_vreg.gather [hbm4b:s7+s2], $0x80, v4, vm0, $0xb8;
	[tilespmem:$0x11100] =	vst v63  }
0x132: {  	s31 =	simm.s32 $0xA100  }
0x133: {  	[tilespmem:s31], [sflag:$0x2] =	stream.indirect_vreg.gather [hbm4b:s8+s2], $0x80, v4, vm0, $0xb8;
	[tilespmem:$0x11100] =	vst v63  }
0x134: {  	s30 =	simm.s32 $0xA900  }
0x135: {  	[tilespmem:s30], [sflag:$0x2] =	stream.indirect_vreg.gather [hbm4b:s9+s2], $0x80, v4, vm0, $0xb8;
	[tilespmem:$0x11100] =	vst v63  }
0x136: {  	s30 =	simm.s32 $0xB100  }
0x137: {  	[tilespmem:s30], [sflag:$0x2] =	stream.indirect_vreg.gather [hbm4b:s10+s2], $0x80, v4, vm0, $0xb8;
	[tilespmem:$0x11100] =	vst v63  }
0x138: {  	s16 =	simm.s32 $0xB900;
	v3 =	vperm.xlane v3, v2  }
0x139: {  	[tilespmem:s16], [sflag:$0x2] =	stream.indirect_vreg.gather [hbm4b:s11+s2], $0x80, v4, vm0, $0xb8;
	[tilespmem:$0x11100] =	vst v63  }
0x13a: {  	s3 =	simm.s32 $0xC100;
	v3 =	vadd.s32 v1, v3  }
0x13b: {  	[tilespmem:s3], [sflag:$0x2] =	stream.indirect_vreg.gather [hbm4b:s12+s2], $0x80, v4, vm0, $0xb8;
	[tilespmem:$0x11100] =	vst v63  }
0x13c: {  	s17 =	simm.s32 $0xC900  }
0x13d: {  	[tilespmem:s17], [sflag:$0x2] =	stream.indirect_vreg.gather [hbm4b:s13+s2], $0x80, v4, vm1, $0xb8;
	[tilespmem:$0x11100] =	vst v63  }
0x13e: {  	s16 =	simm.s32 $0xCD00  }
0x13f: {  	[tilespmem:s16], [sflag:$0x2] =	stream.indirect_vreg.gather [hbm4b:s5+s2], $0x80, v3, vm0, $0xb8;
	[tilespmem:$0x11100] =	vst v63  }
0x140: {  	s17 =	simm.s32 $0xD500  }
0x141: {  	[tilespmem:s17], [sflag:$0x2] =	stream.indirect_vreg.gather [hbm4b:s6+s2], $0x80, v3, vm0, $0xb8;
	[tilespmem:$0x11100] =	vst v63  }
0x142: {  	s21 =	simm.s32 $0xDD00  }
0x143: {  	[tilespmem:s21], [sflag:$0x2] =	stream.indirect_vreg.gather [hbm4b:s7+s2], $0x80, v3, vm0, $0xb8;
	[tilespmem:$0x11100] =	vst v63  }
0x144: {  	s22 =	simm.s32 $0xE500  }
0x145: {  	[tilespmem:s22], [sflag:$0x2] =	stream.indirect_vreg.gather [hbm4b:s8+s2], $0x80, v3, vm0, $0xb8;
	[tilespmem:$0x11100] =	vst v63  }
0x146: {  	s24 =	simm.s32 $0xED00  }
0x147: {  	[tilespmem:s24], [sflag:$0x2] =	stream.indirect_vreg.gather [hbm4b:s9+s2], $0x80, v3, vm0, $0xb8;
	[tilespmem:$0x11100] =	vst v63  }
0x148: {  	s25 =	simm.s32 $0xF500  }
0x149: {  	[tilespmem:s25], [sflag:$0x2] =	stream.indirect_vreg.gather [hbm4b:s10+s2], $0x80, v3, vm0, $0xb8;
	[tilespmem:$0x11100] =	vst v63  }
0x14a: {  	s26 =	simm.s32 $0xFD00  }
0x14b: {  	[tilespmem:s26], [sflag:$0x2] =	stream.indirect_vreg.gather [hbm4b:s11+s2], $0x80, v3, vm0, $0xb8;
	[tilespmem:$0x11100] =	vst v63  }
0x14c: {  	s28 =	simm.s32 $0x10500  }
0x14d: {  	[tilespmem:s28], [sflag:$0x2] =	stream.indirect_vreg.gather [hbm4b:s12+s2], $0x80, v3, vm0, $0xb8;
	[tilespmem:$0x11100] =	vst v63  }
0x14e: {  	s20 =	simm.s32 $0x10D00  }
0x14f: {  	[tilespmem:s20], [sflag:$0x2] =	stream.indirect_vreg.gather [hbm4b:s13+s2], $0x80, v3, vm1, $0xb8;
	[tilespmem:$0x11100] =	vst v63  }
0x150: {  	_ =	swait.ge [sflag:s18], $0x8800  }
0x151: {  	[sflag:s18] =	ssyncset.done $0x0  }
0x152: {  	s0 =	simm.s32 $0x100;
	s20 =	rddreg [dreg:$0xa];
	[sflag:s18] =	ssyncadd.s32 $0xFFFF7800  }
0x153: {  	[hbm4b:s20+s2] =	stream.linear.scatter [tilespmem:s0], [sflag:$0x3], $0x8800, $0x38;
	[tilespmem:$0x11100] =	vst v63  }
0x154: {  	_ =	swait.ge [sflag:s15], $0x8800  }
0x155: {  	[sflag:s15] =	ssyncset.done $0x0  }
0x156: {  	s20 =	rddreg [dreg:$0xb];
	[sflag:s15] =	ssyncadd.s32 $0xFFFF7800  }
0x157: {  	[tilespmem:s2], [sflag:$0x3] =	stream.linear.gather [hbm4b:s20+s2], $0x10, $0x38;
	[tilespmem:$0x11100] =	vst v63  }
0x158: {  	_ =	swait.ge [sflag:s15], $0x10  }
0x159: {  	[sflag:s15] =	ssyncset.done $0x0  }
0x15a: {  	[sflag:s15] =	ssyncadd.s32 $0xFFFFFFF0  }
0x15b: {  	v3 =	vld [tilespmem:$0x0];
	_ =	sdelay $0x4  }
0x15c: {  	v60 =	vshrl.u32 v3, $0x3  }
0x15d: {  	v4 =	vmul.u32 $0x88, v60  }
0x15e: {  	v3 =	vand.u32 $0x7, v3  }
0x15f: {  	v3 =	vor.u32 v3, v4  }
0x160: {  	v4 =	vperm.xlane v3, v0;
	_ =	sdelay $0x1  }
0x161: {  	v4 =	vadd.s32 v1, v4;
	_ =	sdelay $0x4  }
0x162: {  	[tilespmem:s0], [sflag:$0x1] =	stream.indirect_vreg.gather [hbm4b:s5+s2], $0x80, v4, vm0, $0xb8;
	[tilespmem:$0x11100] =	vst v63  }
0x163: {  	s20 =	simm.s32 $0x900  }
0x164: {  	[tilespmem:s20], [sflag:$0x1] =	stream.indirect_vreg.gather [hbm4b:s6+s2], $0x80, v4, vm0, $0xb8;
	[tilespmem:$0x11100] =	vst v63  }
0x165: {  	s20 =	simm.s32 $0x1100  }
0x166: {  	[tilespmem:s20], [sflag:$0x1] =	stream.indirect_vreg.gather [hbm4b:s7+s2], $0x80, v4, vm0, $0xb8;
	[tilespmem:$0x11100] =	vst v63  }
0x167: {  	s20 =	simm.s32 $0x1900  }
0x168: {  	[tilespmem:s20], [sflag:$0x1] =	stream.indirect_vreg.gather [hbm4b:s8+s2], $0x80, v4, vm0, $0xb8;
	[tilespmem:$0x11100] =	vst v63  }
0x169: {  	s20 =	simm.s32 $0x2100  }
0x16a: {  	[tilespmem:s20], [sflag:$0x1] =	stream.indirect_vreg.gather [hbm4b:s9+s2], $0x80, v4, vm0, $0xb8;
	[tilespmem:$0x11100] =	vst v63  }
0x16b: {  	_ = 	snop  }
0x16c: {  	[tilespmem:s4], [sflag:$0x1] =	stream.indirect_vreg.gather [hbm4b:s10+s2], $0x80, v4, vm0, $0xb8;
	[tilespmem:$0x11100] =	vst v63  }
0x16d: {  	v3 =	vperm.xlane v3, v2;
	s4 =	simm.s32 $0x3100  }
0x16e: {  	[tilespmem:s4], [sflag:$0x1] =	stream.indirect_vreg.gather [hbm4b:s11+s2], $0x80, v4, vm0, $0xb8;
	[tilespmem:$0x11100] =	vst v63  }
0x16f: {  	v3 =	vadd.s32 v1, v3;
	s20 =	simm.s32 $0x3900  }
0x170: {  	[tilespmem:s20], [sflag:$0x1] =	stream.indirect_vreg.gather [hbm4b:s12+s2], $0x80, v4, vm0, $0xb8;
	[tilespmem:$0x11100] =	vst v63  }
0x171: {  	s4 =	simm.s32 $0x4100  }
0x172: {  	[tilespmem:s4], [sflag:$0x1] =	stream.indirect_vreg.gather [hbm4b:s13+s2], $0x80, v4, vm1, $0xb8;
	[tilespmem:$0x11100] =	vst v63  }
0x173: {  	s20 =	simm.s32 $0x4500  }
0x174: {  	[tilespmem:s20], [sflag:$0x1] =	stream.indirect_vreg.gather [hbm4b:s5+s2], $0x80, v3, vm0, $0xb8;
	[tilespmem:$0x11100] =	vst v63  }
0x175: {  	s4 =	simm.s32 $0x4D00  }
0x176: {  	[tilespmem:s4], [sflag:$0x1] =	stream.indirect_vreg.gather [hbm4b:s6+s2], $0x80, v3, vm0, $0xb8;
	[tilespmem:$0x11100] =	vst v63  }
0x177: {  	s20 =	simm.s32 $0x5500  }
0x178: {  	[tilespmem:s20], [sflag:$0x1] =	stream.indirect_vreg.gather [hbm4b:s7+s2], $0x80, v3, vm0, $0xb8;
	[tilespmem:$0x11100] =	vst v63  }
0x179: {  	s4 =	simm.s32 $0x5D00  }
0x17a: {  	[tilespmem:s4], [sflag:$0x1] =	stream.indirect_vreg.gather [hbm4b:s8+s2], $0x80, v3, vm0, $0xb8;
	[tilespmem:$0x11100] =	vst v63  }
0x17b: {  	s20 =	simm.s32 $0x6500  }
0x17c: {  	[tilespmem:s20], [sflag:$0x1] =	stream.indirect_vreg.gather [hbm4b:s9+s2], $0x80, v3, vm0, $0xb8;
	[tilespmem:$0x11100] =	vst v63  }
0x17d: {  	s4 =	simm.s32 $0x6D00  }
0x17e: {  	[tilespmem:s4], [sflag:$0x1] =	stream.indirect_vreg.gather [hbm4b:s10+s2], $0x80, v3, vm0, $0xb8;
	[tilespmem:$0x11100] =	vst v63  }
0x17f: {  	s20 =	simm.s32 $0x7500  }
0x180: {  	[tilespmem:s20], [sflag:$0x1] =	stream.indirect_vreg.gather [hbm4b:s11+s2], $0x80, v3, vm0, $0xb8;
	[tilespmem:$0x11100] =	vst v63  }
0x181: {  	s4 =	simm.s32 $0x7D00  }
0x182: {  	[tilespmem:s4], [sflag:$0x1] =	stream.indirect_vreg.gather [hbm4b:s12+s2], $0x80, v3, vm0, $0xb8;
	[tilespmem:$0x11100] =	vst v63  }
0x183: {  	s20 =	simm.s32 $0x8500  }
0x184: {  	[tilespmem:s20], [sflag:$0x1] =	stream.indirect_vreg.gather [hbm4b:s13+s2], $0x80, v3, vm1, $0xb8;
	[tilespmem:$0x11100] =	vst v63  }
0x185: {  	_ =	swait.ge [sflag:s19], $0x8800  }
0x186: {  	[sflag:s19] =	ssyncset.done $0x0  }
0x187: {  	s4 =	rddreg [dreg:$0xc];
	[sflag:s19] =	ssyncadd.s32 $0xFFFF7800  }
0x188: {  	[hbm4b:s4+s2] =	stream.linear.scatter [tilespmem:s1], [sflag:$0x3], $0x8800, $0x38;
	[tilespmem:$0x11100] =	vst v63  }
0x189: {  	_ =	swait.ge [sflag:s15], $0x8800  }
0x18a: {  	[sflag:s15] =	ssyncset.done $0x0  }
0x18b: {  	s4 =	simm.s32 $0x80;
	s0 =	rddreg [dreg:$0xd];
	[sflag:s15] =	ssyncadd.s32 $0xFFFF7800  }
0x18c: {  	[tilespmem:s4], [sflag:$0x3] =	stream.linear.gather [hbm4b:s0+s2], $0x10, $0x38;
	[tilespmem:$0x11100] =	vst v63  }
0x18d: {  	_ =	swait.ge [sflag:s15], $0x10  }
0x18e: {  	[sflag:s15] =	ssyncset.done $0x0  }
0x18f: {  	[sflag:s15] =	ssyncadd.s32 $0xFFFFFFF0  }
0x190: {  	v3 =	vld [tilespmem:$0x80];
	_ =	sdelay $0x4  }
0x191: {  	v61 =	vshrl.u32 v3, $0x3  }
0x192: {  	v4 =	vmul.u32 $0x88, v61  }
0x193: {  	v3 =	vand.u32 $0x7, v3  }
0x194: {  	v3 =	vor.u32 v3, v4  }
0x195: {  	v4 =	vperm.xlane v3, v0;
	_ =	sdelay $0x1  }
0x196: {  	v4 =	vadd.s32 v1, v4;
	_ =	sdelay $0x4  }
0x197: {  	[tilespmem:s1], [sflag:$0x2] =	stream.indirect_vreg.gather [hbm4b:s5+s2], $0x80, v4, vm0, $0xb8;
	[tilespmem:$0x11100] =	vst v63  }
0x198: {  	_ = 	snop  }
0x199: {  	[tilespmem:s29], [sflag:$0x2] =	stream.indirect_vreg.gather [hbm4b:s6+s2], $0x80, v4, vm0, $0xb8;
	[tilespmem:$0x11100] =	vst v63  }
0x19a: {  	_ = 	snop  }
0x19b: {  	[tilespmem:s23], [sflag:$0x2] =	stream.indirect_vreg.gather [hbm4b:s7+s2], $0x80, v4, vm0, $0xb8;
	[tilespmem:$0x11100] =	vst v63  }
0x19c: {  	_ = 	snop  }
0x19d: {  	[tilespmem:s31], [sflag:$0x2] =	stream.indirect_vreg.gather [hbm4b:s8+s2], $0x80, v4, vm0, $0xb8;
	[tilespmem:$0x11100] =	vst v63  }
0x19e: {  	s20 =	simm.s32 $0xA900  }
0x19f: {  	[tilespmem:s20], [sflag:$0x2] =	stream.indirect_vreg.gather [hbm4b:s9+s2], $0x80, v4, vm0, $0xb8;
	[tilespmem:$0x11100] =	vst v63  }
0x1a0: {  	_ = 	snop  }
0x1a1: {  	[tilespmem:s30], [sflag:$0x2] =	stream.indirect_vreg.gather [hbm4b:s10+s2], $0x80, v4, vm0, $0xb8;
	[tilespmem:$0x11100] =	vst v63  }
0x1a2: {  	s4 =	simm.s32 $0xB900;
	v3 =	vperm.xlane v3, v2  }
0x1a3: {  	[tilespmem:s4], [sflag:$0x2] =	stream.indirect_vreg.gather [hbm4b:s11+s2], $0x80, v4, vm0, $0xb8;
	[tilespmem:$0x11100] =	vst v63  }
0x1a4: {  	v3 =	vadd.s32 v1, v3  }
0x1a5: {  	[tilespmem:s3], [sflag:$0x2] =	stream.indirect_vreg.gather [hbm4b:s12+s2], $0x80, v4, vm0, $0xb8;
	[tilespmem:$0x11100] =	vst v63  }
0x1a6: {  	s20 =	simm.s32 $0xC900  }
0x1a7: {  	[tilespmem:s20], [sflag:$0x2] =	stream.indirect_vreg.gather [hbm4b:s13+s2], $0x80, v4, vm1, $0xb8;
	[tilespmem:$0x11100] =	vst v63  }
0x1a8: {  	_ = 	snop  }
0x1a9: {  	[tilespmem:s16], [sflag:$0x2] =	stream.indirect_vreg.gather [hbm4b:s5+s2], $0x80, v3, vm0, $0xb8;
	[tilespmem:$0x11100] =	vst v63  }
0x1aa: {  	_ = 	snop  }
0x1ab: {  	[tilespmem:s17], [sflag:$0x2] =	stream.indirect_vreg.gather [hbm4b:s6+s2], $0x80, v3, vm0, $0xb8;
	[tilespmem:$0x11100] =	vst v63  }
0x1ac: {  	_ = 	snop  }
0x1ad: {  	[tilespmem:s21], [sflag:$0x2] =	stream.indirect_vreg.gather [hbm4b:s7+s2], $0x80, v3, vm0, $0xb8;
	[tilespmem:$0x11100] =	vst v63  }
0x1ae: {  	_ = 	snop  }
0x1af: {  	[tilespmem:s22], [sflag:$0x2] =	stream.indirect_vreg.gather [hbm4b:s8+s2], $0x80, v3, vm0, $0xb8;
	[tilespmem:$0x11100] =	vst v63  }
0x1b0: {  	_ = 	snop  }
0x1b1: {  	[tilespmem:s24], [sflag:$0x2] =	stream.indirect_vreg.gather [hbm4b:s9+s2], $0x80, v3, vm0, $0xb8;
	[tilespmem:$0x11100] =	vst v63  }
0x1b2: {  	_ = 	snop  }
0x1b3: {  	[tilespmem:s25], [sflag:$0x2] =	stream.indirect_vreg.gather [hbm4b:s10+s2], $0x80, v3, vm0, $0xb8;
	[tilespmem:$0x11100] =	vst v63  }
0x1b4: {  	_ = 	snop  }
0x1b5: {  	[tilespmem:s26], [sflag:$0x2] =	stream.indirect_vreg.gather [hbm4b:s11+s2], $0x80, v3, vm0, $0xb8;
	[tilespmem:$0x11100] =	vst v63  }
0x1b6: {  	_ = 	snop  }
0x1b7: {  	[tilespmem:s28], [sflag:$0x2] =	stream.indirect_vreg.gather [hbm4b:s12+s2], $0x80, v3, vm0, $0xb8;
	[tilespmem:$0x11100] =	vst v63  }
0x1b8: {  	s0 =	simm.s32 $0x10D00  }
0x1b9: {  	[tilespmem:s0], [sflag:$0x2] =	stream.indirect_vreg.gather [hbm4b:s13+s2], $0x80, v3, vm1, $0xb8;
	[tilespmem:$0x11100] =	vst v63  }
0x1ba: {  	_ =	swait.ge [sflag:s18], $0x8800  }
0x1bb: {  	[sflag:s18] =	ssyncset.done $0x0  }
0x1bc: {  	s0 =	simm.s32 $0x100;
	s3 =	rddreg [dreg:$0xe];
	[sflag:s18] =	ssyncadd.s32 $0xFFFF7800  }
0x1bd: {  	[hbm4b:s3+s2] =	stream.linear.scatter [tilespmem:s0], [sflag:$0x3], $0x8800, $0x38;
	[tilespmem:$0x11100] =	vst v63  }
0x1be: {  	_ =	swait.ge [sflag:s15], $0x8800  }
0x1bf: {  	[sflag:s15] =	ssyncset.done $0x0  }
0x1c0: {  	s3 =	rddreg [dreg:$0xf];
	[sflag:s15] =	ssyncadd.s32 $0xFFFF7800  }
0x1c1: {  	[tilespmem:s2], [sflag:$0x3] =	stream.linear.gather [hbm4b:s3+s2], $0x10, $0x38;
	[tilespmem:$0x11100] =	vst v63  }
0x1c2: {  	_ =	swait.ge [sflag:s15], $0x10  }
0x1c3: {  	[sflag:s15] =	ssyncset.done $0x0  }
0x1c4: {  	[sflag:s15] =	ssyncadd.s32 $0xFFFFFFF0  }
0x1c5: {  	v3 =	vld [tilespmem:$0x0];
	_ =	sdelay $0x4  }
0x1c6: {  	v62 =	vshrl.u32 v3, $0x3  }
0x1c7: {  	v4 =	vmul.u32 $0x88, v62  }
0x1c8: {  	v3 =	vand.u32 $0x7, v3  }
0x1c9: {  	v3 =	vor.u32 v3, v4  }
0x1ca: {  	v4 =	vperm.xlane v3, v0;
	_ =	sdelay $0x1  }
0x1cb: {  	v4 =	vadd.s32 v1, v4;
	_ =	sdelay $0x4  }
0x1cc: {  	[tilespmem:s0], [sflag:$0x1] =	stream.indirect_vreg.gather [hbm4b:s5+s2], $0x80, v4, vm0, $0xb8;
	[tilespmem:$0x11100] =	vst v63  }
0x1cd: {  	s20 =	simm.s32 $0x900  }
0x1ce: {  	[tilespmem:s20], [sflag:$0x1] =	stream.indirect_vreg.gather [hbm4b:s6+s2], $0x80, v4, vm0, $0xb8;
	[tilespmem:$0x11100] =	vst v63  }
0x1cf: {  	s20 =	simm.s32 $0x1100  }
0x1d0: {  	[tilespmem:s20], [sflag:$0x1] =	stream.indirect_vreg.gather [hbm4b:s7+s2], $0x80, v4, vm0, $0xb8;
	[tilespmem:$0x11100] =	vst v63  }
0x1d1: {  	s20 =	simm.s32 $0x1900  }
0x1d2: {  	[tilespmem:s20], [sflag:$0x1] =	stream.indirect_vreg.gather [hbm4b:s8+s2], $0x80, v4, vm0, $0xb8;
	[tilespmem:$0x11100] =	vst v63  }
0x1d3: {  	s20 =	simm.s32 $0x2100  }
0x1d4: {  	[tilespmem:s20], [sflag:$0x1] =	stream.indirect_vreg.gather [hbm4b:s9+s2], $0x80, v4, vm0, $0xb8;
	[tilespmem:$0x11100] =	vst v63  }
0x1d5: {  	s3 =	simm.s32 $0x2900  }
0x1d6: {  	[tilespmem:s3], [sflag:$0x1] =	stream.indirect_vreg.gather [hbm4b:s10+s2], $0x80, v4, vm0, $0xb8;
	[tilespmem:$0x11100] =	vst v63  }
0x1d7: {  	v3 =	vperm.xlane v3, v2;
	s3 =	simm.s32 $0x3100  }
0x1d8: {  	[tilespmem:s3], [sflag:$0x1] =	stream.indirect_vreg.gather [hbm4b:s11+s2], $0x80, v4, vm0, $0xb8;
	[tilespmem:$0x11100] =	vst v63  }
0x1d9: {  	v3 =	vadd.s32 v1, v3;
	s20 =	simm.s32 $0x3900  }
0x1da: {  	[tilespmem:s20], [sflag:$0x1] =	stream.indirect_vreg.gather [hbm4b:s12+s2], $0x80, v4, vm0, $0xb8;
	[tilespmem:$0x11100] =	vst v63  }
0x1db: {  	s20 =	simm.s32 $0x4100  }
0x1dc: {  	[tilespmem:s20], [sflag:$0x1] =	stream.indirect_vreg.gather [hbm4b:s13+s2], $0x80, v4, vm1, $0xb8;
	[tilespmem:$0x11100] =	vst v63  }
0x1dd: {  	s20 =	simm.s32 $0x4500  }
0x1de: {  	[tilespmem:s20], [sflag:$0x1] =	stream.indirect_vreg.gather [hbm4b:s5+s2], $0x80, v3, vm0, $0xb8;
	[tilespmem:$0x11100] =	vst v63  }
0x1df: {  	s20 =	simm.s32 $0x4D00  }
0x1e0: {  	[tilespmem:s20], [sflag:$0x1] =	stream.indirect_vreg.gather [hbm4b:s6+s2], $0x80, v3, vm0, $0xb8;
	[tilespmem:$0x11100] =	vst v63  }
0x1e1: {  	s20 =	simm.s32 $0x5500  }
0x1e2: {  	[tilespmem:s20], [sflag:$0x1] =	stream.indirect_vreg.gather [hbm4b:s7+s2], $0x80, v3, vm0, $0xb8;
	[tilespmem:$0x11100] =	vst v63  }
0x1e3: {  	s20 =	simm.s32 $0x5D00  }
0x1e4: {  	[tilespmem:s20], [sflag:$0x1] =	stream.indirect_vreg.gather [hbm4b:s8+s2], $0x80, v3, vm0, $0xb8;
	[tilespmem:$0x11100] =	vst v63  }
0x1e5: {  	s20 =	simm.s32 $0x6500  }
0x1e6: {  	[tilespmem:s20], [sflag:$0x1] =	stream.indirect_vreg.gather [hbm4b:s9+s2], $0x80, v3, vm0, $0xb8;
	[tilespmem:$0x11100] =	vst v63  }
0x1e7: {  	s20 =	simm.s32 $0x6D00  }
0x1e8: {  	[tilespmem:s20], [sflag:$0x1] =	stream.indirect_vreg.gather [hbm4b:s10+s2], $0x80, v3, vm0, $0xb8;
	[tilespmem:$0x11100] =	vst v63  }
0x1e9: {  	s20 =	simm.s32 $0x7500  }
0x1ea: {  	[tilespmem:s20], [sflag:$0x1] =	stream.indirect_vreg.gather [hbm4b:s11+s2], $0x80, v3, vm0, $0xb8;
	[tilespmem:$0x11100] =	vst v63  }
0x1eb: {  	s20 =	simm.s32 $0x7D00  }
0x1ec: {  	[tilespmem:s20], [sflag:$0x1] =	stream.indirect_vreg.gather [hbm4b:s12+s2], $0x80, v3, vm0, $0xb8;
	[tilespmem:$0x11100] =	vst v63  }
0x1ed: {  	s20 =	simm.s32 $0x8500  }
0x1ee: {  	[tilespmem:s20], [sflag:$0x1] =	stream.indirect_vreg.gather [hbm4b:s13+s2], $0x80, v3, vm1, $0xb8;
	[tilespmem:$0x11100] =	vst v63  }
0x1ef: {  	_ =	swait.ge [sflag:s19], $0x8800  }
0x1f0: {  	[sflag:s19] =	ssyncset.done $0x0  }
0x1f1: {  	s3 =	rddreg [dreg:$0x10];
	[sflag:s19] =	ssyncadd.s32 $0xFFFF7800  }
0x1f2: {  	[hbm4b:s3+s2] =	stream.linear.scatter [tilespmem:s1], [sflag:$0x3], $0x8800, $0x38;
	[tilespmem:$0x11100] =	vst v63  }
0x1f3: {  	_ =	swait.ge [sflag:s15], $0x8800  }
0x1f4: {  	[sflag:s15] =	ssyncset.done $0x0  }
0x1f5: {  	s3 =	simm.s32 $0x80;
	s20 =	rddreg [dreg:$0x11];
	[sflag:s15] =	ssyncadd.s32 $0xFFFF7800  }
0x1f6: {  	[tilespmem:s3], [sflag:$0x3] =	stream.linear.gather [hbm4b:s20+s2], $0x10, $0x38;
	[tilespmem:$0x11100] =	vst v63  }
0x1f7: {  	_ =	swait.ge [sflag:s15], $0x10  }
0x1f8: {  	[sflag:s15] =	ssyncset.done $0x0  }
0x1f9: {  	[sflag:s15] =	ssyncadd.s32 $0xFFFFFFF0  }
0x1fa: {  	v3 =	vld [tilespmem:$0x80];
	_ =	sdelay $0x4  }
0x1fb: {  	v63 =	vshrl.u32 v3, $0x3  }
0x1fc: {  	v4 =	vmul.u32 $0x88, v63  }
0x1fd: {  	v3 =	vand.u32 $0x7, v3  }
0x1fe: {  	v3 =	vor.u32 v3, v4  }
0x1ff: {  	v4 =	vperm.xlane v3, v0;
	_ =	sdelay $0x1  }
0x200: {  	v4 =	vadd.s32 v1, v4;
	_ =	sdelay $0x4  }
0x201: {  	[tilespmem:s1], [sflag:$0x2] =	stream.indirect_vreg.gather [hbm4b:s5+s2], $0x80, v4, vm0, $0xb8;
	[tilespmem:$0x11100] =	vst v63  }
0x202: {  	s29 =	simm.s32 $0x9100  }
0x203: {  	[tilespmem:s29], [sflag:$0x2] =	stream.indirect_vreg.gather [hbm4b:s6+s2], $0x80, v4, vm0, $0xb8;
	[tilespmem:$0x11100] =	vst v63  }
0x204: {  	s23 =	simm.s32 $0x9900  }
0x205: {  	[tilespmem:s23], [sflag:$0x2] =	stream.indirect_vreg.gather [hbm4b:s7+s2], $0x80, v4, vm0, $0xb8;
	[tilespmem:$0x11100] =	vst v63  }
0x206: {  	s31 =	simm.s32 $0xA100  }
0x207: {  	[tilespmem:s31], [sflag:$0x2] =	stream.indirect_vreg.gather [hbm4b:s8+s2], $0x80, v4, vm0, $0xb8;
	[tilespmem:$0x11100] =	vst v63  }
0x208: {  	s31 =	simm.s32 $0xA900  }
0x209: {  	[tilespmem:s31], [sflag:$0x2] =	stream.indirect_vreg.gather [hbm4b:s9+s2], $0x80, v4, vm0, $0xb8;
	[tilespmem:$0x11100] =	vst v63  }
0x20a: {  	s30 =	simm.s32 $0xB100  }
0x20b: {  	[tilespmem:s30], [sflag:$0x2] =	stream.indirect_vreg.gather [hbm4b:s10+s2], $0x80, v4, vm0, $0xb8;
	[tilespmem:$0x11100] =	vst v63  }
0x20c: {  	s3 =	simm.s32 $0xB900;
	v3 =	vperm.xlane v3, v2  }
0x20d: {  	[tilespmem:s3], [sflag:$0x2] =	stream.indirect_vreg.gather [hbm4b:s11+s2], $0x80, v4, vm0, $0xb8;
	[tilespmem:$0x11100] =	vst v63  }
0x20e: {  	v3 =	vadd.s32 v1, v3;
	s23 =	simm.s32 $0xC100  }
0x20f: {  	[tilespmem:s23], [sflag:$0x2] =	stream.indirect_vreg.gather [hbm4b:s12+s2], $0x80, v4, vm0, $0xb8;
	[tilespmem:$0x11100] =	vst v63  }
0x210: {  	s4 =	simm.s32 $0xC900  }
0x211: {  	[tilespmem:s4], [sflag:$0x2] =	stream.indirect_vreg.gather [hbm4b:s13+s2], $0x80, v4, vm1, $0xb8;
	[tilespmem:$0x11100] =	vst v63  }
0x212: {  	s16 =	simm.s32 $0xCD00  }
0x213: {  	[tilespmem:s16], [sflag:$0x2] =	stream.indirect_vreg.gather [hbm4b:s5+s2], $0x80, v3, vm0, $0xb8;
	[tilespmem:$0x11100] =	vst v63  }
0x214: {  	s17 =	simm.s32 $0xD500  }
0x215: {  	[tilespmem:s17], [sflag:$0x2] =	stream.indirect_vreg.gather [hbm4b:s6+s2], $0x80, v3, vm0, $0xb8;
	[tilespmem:$0x11100] =	vst v63  }
0x216: {  	s21 =	simm.s32 $0xDD00  }
0x217: {  	[tilespmem:s21], [sflag:$0x2] =	stream.indirect_vreg.gather [hbm4b:s7+s2], $0x80, v3, vm0, $0xb8;
	[tilespmem:$0x11100] =	vst v63  }
0x218: {  	s22 =	simm.s32 $0xE500  }
0x219: {  	[tilespmem:s22], [sflag:$0x2] =	stream.indirect_vreg.gather [hbm4b:s8+s2], $0x80, v3, vm0, $0xb8;
	[tilespmem:$0x11100] =	vst v63  }
0x21a: {  	s24 =	simm.s32 $0xED00  }
0x21b: {  	[tilespmem:s24], [sflag:$0x2] =	stream.indirect_vreg.gather [hbm4b:s9+s2], $0x80, v3, vm0, $0xb8;
	[tilespmem:$0x11100] =	vst v63  }
0x21c: {  	s25 =	simm.s32 $0xF500  }
0x21d: {  	[tilespmem:s25], [sflag:$0x2] =	stream.indirect_vreg.gather [hbm4b:s10+s2], $0x80, v3, vm0, $0xb8;
	[tilespmem:$0x11100] =	vst v63  }
0x21e: {  	s26 =	simm.s32 $0xFD00  }
0x21f: {  	[tilespmem:s26], [sflag:$0x2] =	stream.indirect_vreg.gather [hbm4b:s11+s2], $0x80, v3, vm0, $0xb8;
	[tilespmem:$0x11100] =	vst v63  }
0x220: {  	s28 =	simm.s32 $0x10500  }
0x221: {  	[tilespmem:s28], [sflag:$0x2] =	stream.indirect_vreg.gather [hbm4b:s12+s2], $0x80, v3, vm0, $0xb8;
	[tilespmem:$0x11100] =	vst v63  }
0x222: {  	s29 =	simm.s32 $0x10D00  }
0x223: {  	[tilespmem:s29], [sflag:$0x2] =	stream.indirect_vreg.gather [hbm4b:s13+s2], $0x80, v3, vm1, $0xb8;
	[tilespmem:$0x11100] =	vst v63  }
0x224: {  	_ =	swait.ge [sflag:s18], $0x8800  }
0x225: {  	[sflag:s18] =	ssyncset.done $0x0  }
0x226: {  	s0 =	simm.s32 $0x100;
	s30 =	rddreg [dreg:$0x12];
	[sflag:s18] =	ssyncadd.s32 $0xFFFF7800  }
0x227: {  	[hbm4b:s30+s2] =	stream.linear.scatter [tilespmem:s0], [sflag:$0x3], $0x8800, $0x38;
	[tilespmem:$0x11100] =	vst v63  }
0x228: {  	_ =	swait.ge [sflag:s15], $0x8800  }
0x229: {  	[sflag:s15] =	ssyncset.done $0x0  }
0x22a: {  	[sflag:s15] =	ssyncadd.s32 $0xFFFF7800  }
0x22b: {  	_ =	swait.ge [sflag:s19], $0x8800  }
0x22c: {  	p0 =	sne.s32 s14, $0x1;
	[sflag:s19] =	ssyncset.done $0x0  }
.Ltmp0:
0x22d: {  	s31 =	rddreg [dreg:$0x13];
	[sflag:s19] =	ssyncadd.s32 $0xFFFF7800;
	(pc) =	sbr.rel @p0 .LBB2_1-.Ltmp0, $4  }
0x22e: {  	[hbm4b:s31+s2] =	stream.linear.scatter [tilespmem:s1], [sflag:$0x3], $0x8800, $0x38;
	[tilespmem:$0x11100] =	vst v63  }
0x22f: {  	_ =	swait.ge [sflag:s15], $0x8800  }
0x230: {  	[sflag:s15] =	ssyncset.done $0x0  }
0x231: {  	s14 =	sadd.s32 $0xFFFFFFFF, s14;
	[sflag:s15] =	ssyncadd.s32 $0xFFFF7800  }
0x232: {  	_ =	sfence.sel $0x180000  }
0x233: {  	[bflag:$0x0] =	sbarrier.arrive $0xFFFF  }
0x234: {  	_ =	strace $0x90000047  }
0x235: {  	s0 =	stileid.u32;
	[bflag:$0x2] =	sbarrier.arrive $0xFFFF  }
0x236: {  	p0 =	sne.s32 s0, $0x0;
	s0 =	rddreg [dreg:$0x1]  }
0x237: {  	s0 =	sadd.s32 @!p0 $0x100000, s0  }
0x238: {  	[sflag:s0] =	ssyncadd.tile.s32 @!p0 $0x1;
	_ =	shalt  }
.Lfunc_end2:
_tile_overlayer_lowered:
.L_overlay_start_2:
0x239: {  	(tag) =	ssettag $0x2  }
0x23a: {  	s0 =	rddreg [dreg:$0x0];
	s2 =	stileid.u32  }
0x23b: {  	s1 =	rddreg [dreg:$0x1];
	p0 =	sne.s32 s2, $0x0  }
0x23c: {  	s3 =	rddreg [dreg:$0x2];
	[bflag:$0x3] =	sbarrier.arrive $0xFFFF;
	s2 =	simm.s32 @!p0 $0x1C03  }
0x23d: {  	[timem:s3], [sflag:s2] =	dma.local @!p0 [hbm:s0], s1  }
0x23e: {  	s0 =	simm.s32 @!p0 $0x3  }
0x23f: {  	_ =	swait.ge @!p0 [sflag:s0], s1  }
0x240: {  	s1 =	ssub.s32 @!p0 $0x0, s1;
	[sflag:s0] =	ssyncset.done @!p0 $0x0  }
0x241: {  	[sflag:s0] =	ssyncadd.s32 @!p0 s1  }
0x242: {  	[bflag:$0x3] =	sbarrier.arrive $0xFFFF  }
0x243: {  	_ =	shalt  }

</sc_bundles>
